<compile_context>
chip_gen: v7x
topology: tpu7x:2x2x1
jax: 0.10.2.dev20260603
libtpu: 0.0.44.dev20260713+nightly
codegen_flags: <defaults>
</compile_context>

<pallas_src>
import functools

import jax
import jax.numpy as jnp
from jax import lax
from jax.experimental import pallas as pl
from jax.experimental.pallas import tpu as pltpu
from jax.experimental.pallas import tpu_sc as plsc

N_NODES = 10000
D_IN = 128
D_H = 32
N_EDGES = 320000
B_GRAPHS = 64
N_HS = 32
N_EL = 16

NC = 2
NS = 16
EDGES_PER_TILE = N_EDGES // (NC * NS)
N_PAD = 10240
ROWS_PER_TILE = N_PAD // NS


CH = 80
ZR = 64


@functools.lru_cache(maxsize=None)
def _make_edge_segsum(d, rows_tile, rows_core, n_rows):
    nz = ROWS_PER_TILE // ZR

    @functools.partial(
        pl.kernel,
        out_type=jax.ShapeDtypeStruct((NC * N_PAD, d), jnp.float32),
        mesh=plsc.VectorSubcoreMesh(core_axis_name="c", subcore_axis_name="s"),
        compiler_params=pltpu.CompilerParams(use_tc_tiling_on_sc=False),
        scratch_types=[
            pltpu.VMEM((CH,), jnp.int32),
            pltpu.VMEM((CH,), jnp.int32),
            pltpu.VMEM((CH, d), jnp.float32),
            pltpu.VMEM((ZR, d), jnp.float32),
            pltpu.VMEM_SHARED((N_PAD, d), jnp.float32),
            pltpu.SemaphoreType.DMA,
        ],
    )
    def _sc_body(h_hbm, src_hbm, dst_hbm, out_hbm,
                 src_v, dst_v, rows_v, zbuf, acc_sh, sem):
        c = lax.axis_index("c")
        s = lax.axis_index("s")

        zvec = jnp.zeros((16,), jnp.float32)

        def _zero_row(i, _):
            for v in range(d // 16):
                zbuf[i, pl.ds(v * 16, 16)] = zvec
            return 0

        lax.fori_loop(0, ZR, _zero_row, 0)
        for z in range(nz):
            pltpu.sync_copy(
                zbuf, acc_sh.at[pl.ds(s * ROWS_PER_TILE + z * ZR, ZR)])
        plsc.subcore_barrier()

        row0 = c * rows_core + s * rows_tile

        def _chunk(j, _):
            pltpu.sync_copy(src_hbm.at[row0 + j], src_v)
            pltpu.sync_copy(dst_hbm.at[row0 + j], dst_v)
            pltpu.async_copy(h_hbm.at[src_v], rows_v, sem).wait()
            pltpu.sync_copy(rows_v, acc_sh.at[dst_v], add=True)
            return 0

        lax.fori_loop(0, rows_tile, _chunk, 0)
        plsc.subcore_barrier()

        r0 = s * ROWS_PER_TILE
        pltpu.sync_copy(acc_sh.at[pl.ds(r0, ROWS_PER_TILE)],
                        out_hbm.at[pl.ds(c * N_PAD + r0, ROWS_PER_TILE)])

    return _sc_body


def _edge_segsum(h, src2d, dst2d):
    return _make_edge_segsum(D_H, EDGES_PER_TILE // CH,
                             N_EDGES // 2 // CH, N_EDGES // CH)(
                                 h, src2d, dst2d)


def _edge_segsum_wide(x2, src2d, dst2d):
    return _make_edge_segsum(D_IN // 2, N_EDGES // NS // CH,
                             N_EDGES // CH, 2 * N_EDGES // CH)(
                                 x2, src2d, dst2d)


def _layer0_body(h_ref, part_ref, w1_ref, b1_ref, w2_ref, b2_ref, o_ref):
    agg = jnp.concatenate([part_ref[0:N_NODES, :],
                           part_ref[N_PAD:N_PAD + N_NODES, :]], axis=1)
    z = h_ref[...] + agg
    z = jnp.maximum(jnp.dot(z, w1_ref[...],
                            preferred_element_type=jnp.float32) + b1_ref[...],
                    0.0)
    z = jnp.dot(z, w2_ref[...], preferred_element_type=jnp.float32) + b2_ref[...]
    o_ref[...] = jnp.maximum(z, 0.0)


def _layer_body(h_ref, part_ref, w1_ref, b1_ref, w2_ref, b2_ref, o_ref):
    agg = part_ref[0:N_NODES, :] + part_ref[N_PAD:N_PAD + N_NODES, :]
    z = h_ref[...] + agg
    z = jnp.maximum(jnp.dot(z, w1_ref[...],
                            preferred_element_type=jnp.float32) + b1_ref[...],
                    0.0)
    z = jnp.dot(z, w2_ref[...], preferred_element_type=jnp.float32) + b2_ref[...]
    o_ref[...] = jnp.maximum(z, 0.0)


def _final_body(h_ref, wset_ref, batch_ref, fcw_ref, fcb_ref,
                mw1_ref, mb1_ref, mw2_ref, mb2_ref, o_ref):
    h = h_ref[...]
    m = None
    for l in range(N_EL):
        t = jnp.maximum(jnp.dot(h, wset_ref[l],
                                preferred_element_type=jnp.float32), 0.0)
        m = t if m is None else jnp.maximum(m, t)

    gid = lax.broadcasted_iota(jnp.int32, (B_GRAPHS, N_NODES), 0)
    onehot = (batch_ref[...] == gid).astype(jnp.float32)
    pooled = jnp.dot(onehot, m, precision=lax.Precision.HIGHEST,
                     preferred_element_type=jnp.float32)

    t = jnp.maximum(jnp.dot(pooled, fcw_ref[...],
                            preferred_element_type=jnp.float32) + fcb_ref[...],
                    0.0)
    o = jnp.maximum(jnp.dot(t, mw1_ref[...],
                            preferred_element_type=jnp.float32) + mb1_ref[...],
                    0.0)
    o = jnp.dot(o, mw2_ref[...], preferred_element_type=jnp.float32) + mb2_ref[...]
    mx = jnp.max(o, axis=1, keepdims=True)
    shifted = o - mx
    o_ref[...] = shifted - jnp.log(jnp.sum(jnp.exp(shifted), axis=1,
                                           keepdims=True))


def _tc_call(body, out_shape):
    return pl.pallas_call(body, out_shape=out_shape)


def kernel(x, edge_index, batch, g0_W1, g0_b1, g0_W2, g0_b2, g1_W1, g1_b1,
           g1_W2, g1_b2, g2_W1, g2_b1, g2_W2, g2_b2, set_W, set_fc_W,
           set_fc_b, mlp_W1, mlp_b1, mlp_W2, mlp_b2):
    src = edge_index[0]
    dst = edge_index[1]
    f32 = jnp.float32

    src2d = src.reshape(N_EDGES // CH, CH)
    dst2d = dst.reshape(N_EDGES // CH, CH)
    x2 = jnp.concatenate([x[:, :D_IN // 2], x[:, D_IN // 2:]], axis=0)
    src2 = jnp.concatenate([src2d, src2d + N_NODES], axis=0)
    dst2 = jnp.concatenate([dst2d, dst2d], axis=0)
    part = _edge_segsum_wide(x2, src2, dst2)
    h = _tc_call(_layer0_body, jax.ShapeDtypeStruct((N_NODES, D_H), f32))(
        x, part, g0_W1, g0_b1.reshape(1, D_H), g0_W2, g0_b2.reshape(1, D_H))
    for (W1, b1, W2, b2) in ((g1_W1, g1_b1, g1_W2, g1_b2),
                             (g2_W1, g2_b1, g2_W2, g2_b2)):
        part = _edge_segsum(h, src2d, dst2d)
        h = _tc_call(_layer_body, jax.ShapeDtypeStruct((N_NODES, D_H), f32))(
            h, part, W1, b1.reshape(1, D_H), W2, b2.reshape(1, D_H))

    wset = set_W.reshape(D_H, N_HS, N_EL).transpose(2, 0, 1)
    out = _tc_call(_final_body, jax.ShapeDtypeStruct((B_GRAPHS, 2), f32))(
        h, wset, batch.reshape(1, N_NODES).astype(jnp.int32),
        set_fc_W, set_fc_b.reshape(1, D_H),
        mlp_W1, mlp_b1.reshape(1, -1), mlp_W2, mlp_b2.reshape(1, -1))
    return out

# --- scband reference (transcript-rebuilt; emitter-appended) ---
"""Pipeline reference for scband-srgnnclassifier-59365037965732 (READ-ONLY COPY).

The authoritative reference and input builder live on the scoring server;
editing this copy changes nothing except your own understanding.
"""

import jax, jax.numpy as jnp
import numpy as np

N_NODES = 10000
D_IN = 128
D_H = 32
N_EDGES = 320000
B_GRAPHS = 64
N_HS = 32
N_EL = 16
D_MLP = 16
N_CLASSES = 2


def setup_inputs(seed: int = 0):
    key = jax.random.key(seed)
    ks = jax.random.split(key, 24)
    inp = {}
    inp["x"] = jax.random.normal(ks[0], (N_NODES, D_IN), dtype=jnp.float32)
    inp["edge_index"] = jax.random.randint(ks[1], (2, N_EDGES), 0, N_NODES)
    inp["batch"] = jnp.sort(jax.random.randint(ks[2], (N_NODES,), 0, B_GRAPHS))
    dims = [(D_IN, D_H), (D_H, D_H), (D_H, D_H)]
    for i, (din, dh) in enumerate(dims):
        inp["g%d_W1" % i] = jax.random.normal(ks[3 + 4 * i], (din, dh), dtype=jnp.float32) * 0.1
        inp["g%d_b1" % i] = jnp.zeros((dh,), dtype=jnp.float32)
        inp["g%d_W2" % i] = jax.random.normal(ks[4 + 4 * i], (dh, dh), dtype=jnp.float32) * 0.1
        inp["g%d_b2" % i] = jnp.zeros((dh,), dtype=jnp.float32)
    inp["set_W"] = jax.random.normal(ks[16], (D_H, N_HS * N_EL), dtype=jnp.float32) * 0.1
    inp["set_fc_W"] = jax.random.normal(ks[17], (N_HS, D_H), dtype=jnp.float32) * 0.1
    inp["set_fc_b"] = jnp.zeros((D_H,), dtype=jnp.float32)
    inp["mlp_W1"] = jax.random.normal(ks[18], (D_H, D_MLP), dtype=jnp.float32) * 0.1
    inp["mlp_b1"] = jnp.zeros((D_MLP,), dtype=jnp.float32)
    inp["mlp_W2"] = jax.random.normal(ks[19], (D_MLP, N_CLASSES), dtype=jnp.float32) * 0.1
    inp["mlp_b2"] = jnp.zeros((N_CLASSES,), dtype=jnp.float32)
    return inp


def reference(x, edge_index, batch, g0_W1, g0_b1, g0_W2, g0_b2, g1_W1, g1_b1, g1_W2, g1_b2, g2_W1, g2_b1, g2_W2, g2_b2, set_W, set_fc_W, set_fc_b, mlp_W1, mlp_b1, mlp_W2, mlp_b2):
    src = edge_index[0]
    dst = edge_index[1]
    h = x
    layers = [(g0_W1, g0_b1, g0_W2, g0_b2), (g1_W1, g1_b1, g1_W2, g1_b2), (g2_W1, g2_b1, g2_W2, g2_b2)]
    for (W1, b1, W2, b2) in layers:
        # GINConv: mlp((1+eps)*x + sum_{j in N(i)} x_j), eps=0
        agg = jax.ops.segment_sum(h[src], dst, num_segments=h.shape[0])
        z = h + agg
        z = jnp.maximum(z @ W1 + b1, 0.0) @ W2 + b2
        h = jnp.maximum(z, 0.0)
    # graph_batch_to_set: unbatch + zero-pad to [B, max_card, d]
    counts = jnp.bincount(batch, length=B_GRAPHS)
    max_card = h.shape[0]
    starts = jnp.cumsum(counts) - counts
    pos = jnp.arange(h.shape[0]) - starts[batch]
    X_set = jnp.zeros((B_GRAPHS, max_card, D_H), dtype=h.dtype).at[batch, pos].set(h)
    # SetRep (ApproxRepSet): relu projection, max over hidden-set elements, sum over set members
    t = jnp.maximum(jnp.einsum('bmd,dk->bmk', X_set, set_W), 0.0)
    t = t.reshape(B_GRAPHS, max_card, N_HS, N_EL)
    t = t.max(axis=3).sum(axis=1)
    t = jnp.maximum(t @ set_fc_W + set_fc_b, 0.0)
    # MLP head
    o = jnp.maximum(t @ mlp_W1 + mlp_b1, 0.0) @ mlp_W2 + mlp_b2
    return jax.nn.log_softmax(o, axis=1)

if __name__ == "__main__":
    import jax
    _d = setup_inputs()
    print(jax.jit(kernel)(*tuple(_d.values())))

</pallas_src>

<mosaic_0001>
#map = affine_map<(d0, d1) -> (0, 0)>
module attributes {stable_mosaic.version = 14 : i64} {
  func.func @_sc_body(%arg0: i32, %arg1: i32, %arg2: memref<10000x32xf32, #tpu.memory_space<hbm>>, %arg3: memref<4000x80xi32, #tpu.memory_space<hbm>>, %arg4: memref<4000x80xi32, #tpu.memory_space<hbm>>, %arg5: memref<20480x32xf32, #tpu.memory_space<hbm>>, %arg6: memref<80xi32, #tpu.memory_space<vmem>>, %arg7: memref<80xi32, #tpu.memory_space<vmem>>, %arg8: memref<80x32xf32, #tpu.memory_space<vmem>>, %arg9: memref<64x32xf32, #tpu.memory_space<vmem>>, %arg10: memref<10240x32xf32, #tpu.memory_space<vmem_shared>>, %arg11: memref<!tpu.dma_semaphore, #tpu.memory_space<semaphore_mem>>) attributes {dimension_semantics = [#tpu.dimension_semantics<core_parallel>, #tpu.dimension_semantics<subcore_parallel>], iteration_bounds = array<i64: 2, 16>, scalar_prefetch = 0 : i64, scratch_operands = 6 : i64, tpu.core_type = #tpu.core_type<sc_vector_subcore>, window_params = [{transform_indices = #map}, {transform_indices = #map}, {transform_indices = #map}, {transform_indices = #map}]} {
    %broadcast_in_dim3A = arith.constant 0.000000e+00 : f32
    %broadcast_in_dim3A_0 = vector.broadcast %broadcast_in_dim3A : f32 to vector<16xf32>
    %scan3A = arith.constant 0 : i32
    %scan3A_1 = arith.constant 0 : i32
    %scan3A_2 = arith.constant 64 : i32
    %scan3A_3 = arith.addi %scan3A_1, %scan3A_2 : i32
    %scan3A_4 = arith.constant 1 : i32
    %scan3A_5 = scf.for %scan3A_63 = %scan3A_1 to %scan3A_3 step %scan3A_4 iter_args(%scan3A_64 = %scan3A) -> (i32)  : i32 {
      %swap3A = arith.index_cast %scan3A_63 : i32 to index
      %swap3A_65 = arith.constant 0 : index
      %swap3A_66 = tpu.vector_load %arg9[%swap3A, %swap3A_65] {strides = array<i32>} : memref<64x32xf32, #tpu.memory_space<vmem>>, vector<1x16xf32>,
      %swap3A_67 = vector.shape_cast %swap3A_66 : vector<1x16xf32> to vector<16xf32>
      %swap3A_68 = vector.shape_cast %broadcast_in_dim3A_0 : vector<16xf32> to vector<1x16xf32>
      tpu.vector_store %arg9[%swap3A, %swap3A_65], %swap3A_68 {strides = array<i32>} : memref<64x32xf32, #tpu.memory_space<vmem>>, vector<1x16xf32>,
      %swap3A_69 = arith.index_cast %scan3A_63 : i32 to index
      %swap3A_70 = arith.constant 16 : index
      %swap3A_71 = tpu.vector_load %arg9[%swap3A_69, %swap3A_70] {strides = array<i32>} : memref<64x32xf32, #tpu.memory_space<vmem>>, vector<1x16xf32>,
      %swap3A_72 = vector.shape_cast %swap3A_71 : vector<1x16xf32> to vector<16xf32>
      %swap3A_73 = vector.shape_cast %broadcast_in_dim3A_0 : vector<16xf32> to vector<1x16xf32>
      tpu.vector_store %arg9[%swap3A_69, %swap3A_70], %swap3A_73 {strides = array<i32>} : memref<64x32xf32, #tpu.memory_space<vmem>>, vector<1x16xf32>,
      %scan3A_74 = arith.constant 0 : i32
      scf.yield %scan3A_74 : i32
    }
    %scan3A_6 = arith.constant 64 : i32
    %mul3A = arith.constant 640 : i32
    %mul3A_7 = arith.muli %arg1, %mul3A : i32
    %add3A = arith.constant 0 : i32
    %add3A_8 = arith.addi %mul3A_7, %add3A : i32
    "tpu.region"() ({
      %run_scoped3A = tpu.sem_alloc : memref<!tpu.dma_semaphore, #tpu.memory_space<semaphore_mem>>
      %dma_start3A = arith.constant 0 : i32
      %dma_start3A_63 = tpu.memref_slice %arg10[%add3A_8, %dma_start3A] : memref<10240x32xf32, #tpu.memory_space<vmem_shared>> -> memref<64x32xf32, #tpu.memory_space<vmem_shared>>
      %dma_start3A_64 = arith.constant 0 : i32
      %dma_start3A_65 = tpu.memref_slice %arg10[%add3A_8, %dma_start3A_64] : memref<10240x32xf32, #tpu.memory_space<vmem_shared>> -> memref<64x32xf32, #tpu.memory_space<vmem_shared>>
      tpu.enqueue_dma source(%arg9 : memref<64x32xf32, #tpu.memory_space<vmem>>) target(%dma_start3A_65 : memref<64x32xf32, #tpu.memory_space<vmem_shared>>) target_semaphore(%run_scoped3A : memref<!tpu.dma_semaphore, #tpu.memory_space<semaphore_mem>>)
      %dma_wait3A = arith.constant 0 : i32
      %dma_wait3A_66 = tpu.memref_slice %arg10[%add3A_8, %dma_wait3A] : memref<10240x32xf32, #tpu.memory_space<vmem_shared>> -> memref<64x32xf32, #tpu.memory_space<vmem_shared>>
      %dma_wait3A_67 = arith.constant 0 : i32
      %dma_wait3A_68 = tpu.memref_slice %arg10[%add3A_8, %dma_wait3A_67] : memref<10240x32xf32, #tpu.memory_space<vmem_shared>> -> memref<64x32xf32, #tpu.memory_space<vmem_shared>>
      tpu.wait_dma2 semaphore(%run_scoped3A : memref<!tpu.dma_semaphore, #tpu.memory_space<semaphore_mem>>) src(%arg9 : memref<64x32xf32, #tpu.memory_space<vmem>>) dst(%dma_wait3A_68 : memref<64x32xf32, #tpu.memory_space<vmem_shared>>)
      tpu.yield
    }) : () -> ()
    %mul3A_9 = arith.constant 640 : i32
    %mul3A_10 = arith.muli %arg1, %mul3A_9 : i32
    %add3A_11 = arith.constant 64 : i32
    %add3A_12 = arith.addi %mul3A_10, %add3A_11 : i32
    "tpu.region"() ({
      %run_scoped3A = tpu.sem_alloc : memref<!tpu.dma_semaphore, #tpu.memory_space<semaphore_mem>>
      %dma_start3A = arith.constant 0 : i32
      %dma_start3A_63 = tpu.memref_slice %arg10[%add3A_12, %dma_start3A] : memref<10240x32xf32, #tpu.memory_space<vmem_shared>> -> memref<64x32xf32, #tpu.memory_space<vmem_shared>>
      %dma_start3A_64 = arith.constant 0 : i32
      %dma_start3A_65 = tpu.memref_slice %arg10[%add3A_12, %dma_start3A_64] : memref<10240x32xf32, #tpu.memory_space<vmem_shared>> -> memref<64x32xf32, #tpu.memory_space<vmem_shared>>
      tpu.enqueue_dma source(%arg9 : memref<64x32xf32, #tpu.memory_space<vmem>>) target(%dma_start3A_65 : memref<64x32xf32, #tpu.memory_space<vmem_shared>>) target_semaphore(%run_scoped3A : memref<!tpu.dma_semaphore, #tpu.memory_space<semaphore_mem>>)
      %dma_wait3A = arith.constant 0 : i32
      %dma_wait3A_66 = tpu.memref_slice %arg10[%add3A_12, %dma_wait3A] : memref<10240x32xf32, #tpu.memory_space<vmem_shared>> -> memref<64x32xf32, #tpu.memory_space<vmem_shared>>
      %dma_wait3A_67 = arith.constant 0 : i32
      %dma_wait3A_68 = tpu.memref_slice %arg10[%add3A_12, %dma_wait3A_67] : memref<10240x32xf32, #tpu.memory_space<vmem_shared>> -> memref<64x32xf32, #tpu.memory_space<vmem_shared>>
      tpu.wait_dma2 semaphore(%run_scoped3A : memref<!tpu.dma_semaphore, #tpu.memory_space<semaphore_mem>>) src(%arg9 : memref<64x32xf32, #tpu.memory_space<vmem>>) dst(%dma_wait3A_68 : memref<64x32xf32, #tpu.memory_space<vmem_shared>>)
      tpu.yield
    }) : () -> ()
    %mul3A_13 = arith.constant 640 : i32
    %mul3A_14 = arith.muli %arg1, %mul3A_13 : i32
    %add3A_15 = arith.constant 128 : i32
    %add3A_16 = arith.addi %mul3A_14, %add3A_15 : i32
    "tpu.region"() ({
      %run_scoped3A = tpu.sem_alloc : memref<!tpu.dma_semaphore, #tpu.memory_space<semaphore_mem>>
      %dma_start3A = arith.constant 0 : i32
      %dma_start3A_63 = tpu.memref_slice %arg10[%add3A_16, %dma_start3A] : memref<10240x32xf32, #tpu.memory_space<vmem_shared>> -> memref<64x32xf32, #tpu.memory_space<vmem_shared>>
      %dma_start3A_64 = arith.constant 0 : i32
      %dma_start3A_65 = tpu.memref_slice %arg10[%add3A_16, %dma_start3A_64] : memref<10240x32xf32, #tpu.memory_space<vmem_shared>> -> memref<64x32xf32, #tpu.memory_space<vmem_shared>>
      tpu.enqueue_dma source(%arg9 : memref<64x32xf32, #tpu.memory_space<vmem>>) target(%dma_start3A_65 : memref<64x32xf32, #tpu.memory_space<vmem_shared>>) target_semaphore(%run_scoped3A : memref<!tpu.dma_semaphore, #tpu.memory_space<semaphore_mem>>)
      %dma_wait3A = arith.constant 0 : i32
      %dma_wait3A_66 = tpu.memref_slice %arg10[%add3A_16, %dma_wait3A] : memref<10240x32xf32, #tpu.memory_space<vmem_shared>> -> memref<64x32xf32, #tpu.memory_space<vmem_shared>>
      %dma_wait3A_67 = arith.constant 0 : i32
      %dma_wait3A_68 = tpu.memref_slice %arg10[%add3A_16, %dma_wait3A_67] : memref<10240x32xf32, #tpu.memory_space<vmem_shared>> -> memref<64x32xf32, #tpu.memory_space<vmem_shared>>
      tpu.wait_dma2 semaphore(%run_scoped3A : memref<!tpu.dma_semaphore, #tpu.memory_space<semaphore_mem>>) src(%arg9 : memref<64x32xf32, #tpu.memory_space<vmem>>) dst(%dma_wait3A_68 : memref<64x32xf32, #tpu.memory_space<vmem_shared>>)
      tpu.yield
    }) : () -> ()
    %mul3A_17 = arith.constant 640 : i32
    %mul3A_18 = arith.muli %arg1, %mul3A_17 : i32
    %add3A_19 = arith.constant 192 : i32
    %add3A_20 = arith.addi %mul3A_18, %add3A_19 : i32
    "tpu.region"() ({
      %run_scoped3A = tpu.sem_alloc : memref<!tpu.dma_semaphore, #tpu.memory_space<semaphore_mem>>
      %dma_start3A = arith.constant 0 : i32
      %dma_start3A_63 = tpu.memref_slice %arg10[%add3A_20, %dma_start3A] : memref<10240x32xf32, #tpu.memory_space<vmem_shared>> -> memref<64x32xf32, #tpu.memory_space<vmem_shared>>
      %dma_start3A_64 = arith.constant 0 : i32
      %dma_start3A_65 = tpu.memref_slice %arg10[%add3A_20, %dma_start3A_64] : memref<10240x32xf32, #tpu.memory_space<vmem_shared>> -> memref<64x32xf32, #tpu.memory_space<vmem_shared>>
      tpu.enqueue_dma source(%arg9 : memref<64x32xf32, #tpu.memory_space<vmem>>) target(%dma_start3A_65 : memref<64x32xf32, #tpu.memory_space<vmem_shared>>) target_semaphore(%run_scoped3A : memref<!tpu.dma_semaphore, #tpu.memory_space<semaphore_mem>>)
      %dma_wait3A = arith.constant 0 : i32
      %dma_wait3A_66 = tpu.memref_slice %arg10[%add3A_20, %dma_wait3A] : memref<10240x32xf32, #tpu.memory_space<vmem_shared>> -> memref<64x32xf32, #tpu.memory_space<vmem_shared>>
      %dma_wait3A_67 = arith.constant 0 : i32
      %dma_wait3A_68 = tpu.memref_slice %arg10[%add3A_20, %dma_wait3A_67] : memref<10240x32xf32, #tpu.memory_space<vmem_shared>> -> memref<64x32xf32, #tpu.memory_space<vmem_shared>>
      tpu.wait_dma2 semaphore(%run_scoped3A : memref<!tpu.dma_semaphore, #tpu.memory_space<semaphore_mem>>) src(%arg9 : memref<64x32xf32, #tpu.memory_space<vmem>>) dst(%dma_wait3A_68 : memref<64x32xf32, #tpu.memory_space<vmem_shared>>)
      tpu.yield
    }) : () -> ()
    %mul3A_21 = arith.constant 640 : i32
    %mul3A_22 = arith.muli %arg1, %mul3A_21 : i32
    %add3A_23 = arith.constant 256 : i32
    %add3A_24 = arith.addi %mul3A_22, %add3A_23 : i32
    "tpu.region"() ({
      %run_scoped3A = tpu.sem_alloc : memref<!tpu.dma_semaphore, #tpu.memory_space<semaphore_mem>>
      %dma_start3A = arith.constant 0 : i32
      %dma_start3A_63 = tpu.memref_slice %arg10[%add3A_24, %dma_start3A] : memref<10240x32xf32, #tpu.memory_space<vmem_shared>> -> memref<64x32xf32, #tpu.memory_space<vmem_shared>>
      %dma_start3A_64 = arith.constant 0 : i32
      %dma_start3A_65 = tpu.memref_slice %arg10[%add3A_24, %dma_start3A_64] : memref<10240x32xf32, #tpu.memory_space<vmem_shared>> -> memref<64x32xf32, #tpu.memory_space<vmem_shared>>
      tpu.enqueue_dma source(%arg9 : memref<64x32xf32, #tpu.memory_space<vmem>>) target(%dma_start3A_65 : memref<64x32xf32, #tpu.memory_space<vmem_shared>>) target_semaphore(%run_scoped3A : memref<!tpu.dma_semaphore, #tpu.memory_space<semaphore_mem>>)
      %dma_wait3A = arith.constant 0 : i32
      %dma_wait3A_66 = tpu.memref_slice %arg10[%add3A_24, %dma_wait3A] : memref<10240x32xf32, #tpu.memory_space<vmem_shared>> -> memref<64x32xf32, #tpu.memory_space<vmem_shared>>
      %dma_wait3A_67 = arith.constant 0 : i32
      %dma_wait3A_68 = tpu.memref_slice %arg10[%add3A_24, %dma_wait3A_67] : memref<10240x32xf32, #tpu.memory_space<vmem_shared>> -> memref<64x32xf32, #tpu.memory_space<vmem_shared>>
      tpu.wait_dma2 semaphore(%run_scoped3A : memref<!tpu.dma_semaphore, #tpu.memory_space<semaphore_mem>>) src(%arg9 : memref<64x32xf32, #tpu.memory_space<vmem>>) dst(%dma_wait3A_68 : memref<64x32xf32, #tpu.memory_space<vmem_shared>>)
      tpu.yield
    }) : () -> ()
    %mul3A_25 = arith.constant 640 : i32
    %mul3A_26 = arith.muli %arg1, %mul3A_25 : i32
    %add3A_27 = arith.constant 320 : i32
    %add3A_28 = arith.addi %mul3A_26, %add3A_27 : i32
    "tpu.region"() ({
      %run_scoped3A = tpu.sem_alloc : memref<!tpu.dma_semaphore, #tpu.memory_space<semaphore_mem>>
      %dma_start3A = arith.constant 0 : i32
      %dma_start3A_63 = tpu.memref_slice %arg10[%add3A_28, %dma_start3A] : memref<10240x32xf32, #tpu.memory_space<vmem_shared>> -> memref<64x32xf32, #tpu.memory_space<vmem_shared>>
      %dma_start3A_64 = arith.constant 0 : i32
      %dma_start3A_65 = tpu.memref_slice %arg10[%add3A_28, %dma_start3A_64] : memref<10240x32xf32, #tpu.memory_space<vmem_shared>> -> memref<64x32xf32, #tpu.memory_space<vmem_shared>>
      tpu.enqueue_dma source(%arg9 : memref<64x32xf32, #tpu.memory_space<vmem>>) target(%dma_start3A_65 : memref<64x32xf32, #tpu.memory_space<vmem_shared>>) target_semaphore(%run_scoped3A : memref<!tpu.dma_semaphore, #tpu.memory_space<semaphore_mem>>)
      %dma_wait3A = arith.constant 0 : i32
      %dma_wait3A_66 = tpu.memref_slice %arg10[%add3A_28, %dma_wait3A] : memref<10240x32xf32, #tpu.memory_space<vmem_shared>> -> memref<64x32xf32, #tpu.memory_space<vmem_shared>>
      %dma_wait3A_67 = arith.constant 0 : i32
      %dma_wait3A_68 = tpu.memref_slice %arg10[%add3A_28, %dma_wait3A_67] : memref<10240x32xf32, #tpu.memory_space<vmem_shared>> -> memref<64x32xf32, #tpu.memory_space<vmem_shared>>
      tpu.wait_dma2 semaphore(%run_scoped3A : memref<!tpu.dma_semaphore, #tpu.memory_space<semaphore_mem>>) src(%arg9 : memref<64x32xf32, #tpu.memory_space<vmem>>) dst(%dma_wait3A_68 : memref<64x32xf32, #tpu.memory_space<vmem_shared>>)
      tpu.yield
    }) : () -> ()
    %mul3A_29 = arith.constant 640 : i32
    %mul3A_30 = arith.muli %arg1, %mul3A_29 : i32
    %add3A_31 = arith.constant 384 : i32
    %add3A_32 = arith.addi %mul3A_30, %add3A_31 : i32
    "tpu.region"() ({
      %run_scoped3A = tpu.sem_alloc : memref<!tpu.dma_semaphore, #tpu.memory_space<semaphore_mem>>
      %dma_start3A = arith.constant 0 : i32
      %dma_start3A_63 = tpu.memref_slice %arg10[%add3A_32, %dma_start3A] : memref<10240x32xf32, #tpu.memory_space<vmem_shared>> -> memref<64x32xf32, #tpu.memory_space<vmem_shared>>
      %dma_start3A_64 = arith.constant 0 : i32
      %dma_start3A_65 = tpu.memref_slice %arg10[%add3A_32, %dma_start3A_64] : memref<10240x32xf32, #tpu.memory_space<vmem_shared>> -> memref<64x32xf32, #tpu.memory_space<vmem_shared>>
      tpu.enqueue_dma source(%arg9 : memref<64x32xf32, #tpu.memory_space<vmem>>) target(%dma_start3A_65 : memref<64x32xf32, #tpu.memory_space<vmem_shared>>) target_semaphore(%run_scoped3A : memref<!tpu.dma_semaphore, #tpu.memory_space<semaphore_mem>>)
      %dma_wait3A = arith.constant 0 : i32
      %dma_wait3A_66 = tpu.memref_slice %arg10[%add3A_32, %dma_wait3A] : memref<10240x32xf32, #tpu.memory_space<vmem_shared>> -> memref<64x32xf32, #tpu.memory_space<vmem_shared>>
      %dma_wait3A_67 = arith.constant 0 : i32
      %dma_wait3A_68 = tpu.memref_slice %arg10[%add3A_32, %dma_wait3A_67] : memref<10240x32xf32, #tpu.memory_space<vmem_shared>> -> memref<64x32xf32, #tpu.memory_space<vmem_shared>>
      tpu.wait_dma2 semaphore(%run_scoped3A : memref<!tpu.dma_semaphore, #tpu.memory_space<semaphore_mem>>) src(%arg9 : memref<64x32xf32, #tpu.memory_space<vmem>>) dst(%dma_wait3A_68 : memref<64x32xf32, #tpu.memory_space<vmem_shared>>)
      tpu.yield
    }) : () -> ()
    %mul3A_33 = arith.constant 640 : i32
    %mul3A_34 = arith.muli %arg1, %mul3A_33 : i32
    %add3A_35 = arith.constant 448 : i32
    %add3A_36 = arith.addi %mul3A_34, %add3A_35 : i32
    "tpu.region"() ({
      %run_scoped3A = tpu.sem_alloc : memref<!tpu.dma_semaphore, #tpu.memory_space<semaphore_mem>>
      %dma_start3A = arith.constant 0 : i32
      %dma_start3A_63 = tpu.memref_slice %arg10[%add3A_36, %dma_start3A] : memref<10240x32xf32, #tpu.memory_space<vmem_shared>> -> memref<64x32xf32, #tpu.memory_space<vmem_shared>>
      %dma_start3A_64 = arith.constant 0 : i32
      %dma_start3A_65 = tpu.memref_slice %arg10[%add3A_36, %dma_start3A_64] : memref<10240x32xf32, #tpu.memory_space<vmem_shared>> -> memref<64x32xf32, #tpu.memory_space<vmem_shared>>
      tpu.enqueue_dma source(%arg9 : memref<64x32xf32, #tpu.memory_space<vmem>>) target(%dma_start3A_65 : memref<64x32xf32, #tpu.memory_space<vmem_shared>>) target_semaphore(%run_scoped3A : memref<!tpu.dma_semaphore, #tpu.memory_space<semaphore_mem>>)
      %dma_wait3A = arith.constant 0 : i32
      %dma_wait3A_66 = tpu.memref_slice %arg10[%add3A_36, %dma_wait3A] : memref<10240x32xf32, #tpu.memory_space<vmem_shared>> -> memref<64x32xf32, #tpu.memory_space<vmem_shared>>
      %dma_wait3A_67 = arith.constant 0 : i32
      %dma_wait3A_68 = tpu.memref_slice %arg10[%add3A_36, %dma_wait3A_67] : memref<10240x32xf32, #tpu.memory_space<vmem_shared>> -> memref<64x32xf32, #tpu.memory_space<vmem_shared>>
      tpu.wait_dma2 semaphore(%run_scoped3A : memref<!tpu.dma_semaphore, #tpu.memory_space<semaphore_mem>>) src(%arg9 : memref<64x32xf32, #tpu.memory_space<vmem>>) dst(%dma_wait3A_68 : memref<64x32xf32, #tpu.memory_space<vmem_shared>>)
      tpu.yield
    }) : () -> ()
    %mul3A_37 = arith.constant 640 : i32
    %mul3A_38 = arith.muli %arg1, %mul3A_37 : i32
    %add3A_39 = arith.constant 512 : i32
    %add3A_40 = arith.addi %mul3A_38, %add3A_39 : i32
    "tpu.region"() ({
      %run_scoped3A = tpu.sem_alloc : memref<!tpu.dma_semaphore, #tpu.memory_space<semaphore_mem>>
      %dma_start3A = arith.constant 0 : i32
      %dma_start3A_63 = tpu.memref_slice %arg10[%add3A_40, %dma_start3A] : memref<10240x32xf32, #tpu.memory_space<vmem_shared>> -> memref<64x32xf32, #tpu.memory_space<vmem_shared>>
      %dma_start3A_64 = arith.constant 0 : i32
      %dma_start3A_65 = tpu.memref_slice %arg10[%add3A_40, %dma_start3A_64] : memref<10240x32xf32, #tpu.memory_space<vmem_shared>> -> memref<64x32xf32, #tpu.memory_space<vmem_shared>>
      tpu.enqueue_dma source(%arg9 : memref<64x32xf32, #tpu.memory_space<vmem>>) target(%dma_start3A_65 : memref<64x32xf32, #tpu.memory_space<vmem_shared>>) target_semaphore(%run_scoped3A : memref<!tpu.dma_semaphore, #tpu.memory_space<semaphore_mem>>)
      %dma_wait3A = arith.constant 0 : i32
      %dma_wait3A_66 = tpu.memref_slice %arg10[%add3A_40, %dma_wait3A] : memref<10240x32xf32, #tpu.memory_space<vmem_shared>> -> memref<64x32xf32, #tpu.memory_space<vmem_shared>>
      %dma_wait3A_67 = arith.constant 0 : i32
      %dma_wait3A_68 = tpu.memref_slice %arg10[%add3A_40, %dma_wait3A_67] : memref<10240x32xf32, #tpu.memory_space<vmem_shared>> -> memref<64x32xf32, #tpu.memory_space<vmem_shared>>
      tpu.wait_dma2 semaphore(%run_scoped3A : memref<!tpu.dma_semaphore, #tpu.memory_space<semaphore_mem>>) src(%arg9 : memref<64x32xf32, #tpu.memory_space<vmem>>) dst(%dma_wait3A_68 : memref<64x32xf32, #tpu.memory_space<vmem_shared>>)
      tpu.yield
    }) : () -> ()
    %mul3A_41 = arith.constant 640 : i32
    %mul3A_42 = arith.muli %arg1, %mul3A_41 : i32
    %add3A_43 = arith.constant 576 : i32
    %add3A_44 = arith.addi %mul3A_42, %add3A_43 : i32
    "tpu.region"() ({
      %run_scoped3A = tpu.sem_alloc : memref<!tpu.dma_semaphore, #tpu.memory_space<semaphore_mem>>
      %dma_start3A = arith.constant 0 : i32
      %dma_start3A_63 = tpu.memref_slice %arg10[%add3A_44, %dma_start3A] : memref<10240x32xf32, #tpu.memory_space<vmem_shared>> -> memref<64x32xf32, #tpu.memory_space<vmem_shared>>
      %dma_start3A_64 = arith.constant 0 : i32
      %dma_start3A_65 = tpu.memref_slice %arg10[%add3A_44, %dma_start3A_64] : memref<10240x32xf32, #tpu.memory_space<vmem_shared>> -> memref<64x32xf32, #tpu.memory_space<vmem_shared>>
      tpu.enqueue_dma source(%arg9 : memref<64x32xf32, #tpu.memory_space<vmem>>) target(%dma_start3A_65 : memref<64x32xf32, #tpu.memory_space<vmem_shared>>) target_semaphore(%run_scoped3A : memref<!tpu.dma_semaphore, #tpu.memory_space<semaphore_mem>>)
      %dma_wait3A = arith.constant 0 : i32
      %dma_wait3A_66 = tpu.memref_slice %arg10[%add3A_44, %dma_wait3A] : memref<10240x32xf32, #tpu.memory_space<vmem_shared>> -> memref<64x32xf32, #tpu.memory_space<vmem_shared>>
      %dma_wait3A_67 = arith.constant 0 : i32
      %dma_wait3A_68 = tpu.memref_slice %arg10[%add3A_44, %dma_wait3A_67] : memref<10240x32xf32, #tpu.memory_space<vmem_shared>> -> memref<64x32xf32, #tpu.memory_space<vmem_shared>>
      tpu.wait_dma2 semaphore(%run_scoped3A : memref<!tpu.dma_semaphore, #tpu.memory_space<semaphore_mem>>) src(%arg9 : memref<64x32xf32, #tpu.memory_space<vmem>>) dst(%dma_wait3A_68 : memref<64x32xf32, #tpu.memory_space<vmem_shared>>)
      tpu.yield
    }) : () -> ()
    %barrier3A = arith.constant 0 : index
    tpu.barrier barrier_id(%barrier3A)
    %mul3A_45 = arith.constant 2000 : i32
    %mul3A_46 = arith.muli %arg0, %mul3A_45 : i32
    %mul3A_47 = arith.constant 125 : i32
    %mul3A_48 = arith.muli %arg1, %mul3A_47 : i32
    %add3A_49 = arith.addi %mul3A_46, %mul3A_48 : i32
    %scan3A_50 = arith.constant 0 : i32
    %scan3A_51 = arith.constant 0 : i32
    %scan3A_52 = arith.constant 125 : i32
    %scan3A_53 = arith.addi %scan3A_51, %scan3A_52 : i32
    %scan3A_54 = arith.constant 1 : i32
    %scan3A_55 = scf.for %scan3A_63 = %scan3A_51 to %scan3A_53 step %scan3A_54 iter_args(%scan3A_64 = %scan3A_50) -> (i32)  : i32 {
      %add3A_65 = arith.addi %add3A_49, %scan3A_63 : i32
      "tpu.region"() ({
        %run_scoped3A = tpu.sem_alloc : memref<!tpu.dma_semaphore, #tpu.memory_space<semaphore_mem>>
        %dma_start3A_72 = arith.constant 0 : i32
        %dma_start3A_73 = tpu.memref_slice %arg3[%add3A_65, %dma_start3A_72] : memref<4000x80xi32, #tpu.memory_space<hbm>> -> memref<1x80xi32, #tpu.memory_space<hbm>>
        %dma_start3A_74 = tpu.memref_squeeze %dma_start3A_73 : memref<1x80xi32, #tpu.memory_space<hbm>> -> memref<80xi32, #tpu.memory_space<hbm>>
        %dma_start3A_75 = arith.constant 0 : i32
        %dma_start3A_76 = tpu.memref_slice %arg3[%add3A_65, %dma_start3A_75] : memref<4000x80xi32, #tpu.memory_space<hbm>> -> memref<1x80xi32, #tpu.memory_space<hbm>>
        %dma_start3A_77 = tpu.memref_squeeze %dma_start3A_76 : memref<1x80xi32, #tpu.memory_space<hbm>> -> memref<80xi32, #tpu.memory_space<hbm>>
        tpu.enqueue_dma source(%dma_start3A_77 : memref<80xi32, #tpu.memory_space<hbm>>) target(%arg6 : memref<80xi32, #tpu.memory_space<vmem>>) target_semaphore(%run_scoped3A : memref<!tpu.dma_semaphore, #tpu.memory_space<semaphore_mem>>)
        %dma_wait3A_78 = arith.constant 0 : i32
        %dma_wait3A_79 = tpu.memref_slice %arg3[%add3A_65, %dma_wait3A_78] : memref<4000x80xi32, #tpu.memory_space<hbm>> -> memref<1x80xi32, #tpu.memory_space<hbm>>
        %dma_wait3A_80 = tpu.memref_squeeze %dma_wait3A_79 : memref<1x80xi32, #tpu.memory_space<hbm>> -> memref<80xi32, #tpu.memory_space<hbm>>
        %dma_wait3A_81 = arith.constant 0 : i32
        %dma_wait3A_82 = tpu.memref_slice %arg3[%add3A_65, %dma_wait3A_81] : memref<4000x80xi32, #tpu.memory_space<hbm>> -> memref<1x80xi32, #tpu.memory_space<hbm>>
        %dma_wait3A_83 = tpu.memref_squeeze %dma_wait3A_82 : memref<1x80xi32, #tpu.memory_space<hbm>> -> memref<80xi32, #tpu.memory_space<hbm>>
        tpu.wait_dma2 semaphore(%run_scoped3A : memref<!tpu.dma_semaphore, #tpu.memory_space<semaphore_mem>>) src(%dma_wait3A_83 : memref<80xi32, #tpu.memory_space<hbm>>) dst(%arg6 : memref<80xi32, #tpu.memory_space<vmem>>)
        tpu.yield
      }) : () -> ()
      %add3A_66 = arith.addi %add3A_49, %scan3A_63 : i32
      "tpu.region"() ({
        %run_scoped3A = tpu.sem_alloc : memref<!tpu.dma_semaphore, #tpu.memory_space<semaphore_mem>>
        %dma_start3A_72 = arith.constant 0 : i32
        %dma_start3A_73 = tpu.memref_slice %arg4[%add3A_66, %dma_start3A_72] : memref<4000x80xi32, #tpu.memory_space<hbm>> -> memref<1x80xi32, #tpu.memory_space<hbm>>
        %dma_start3A_74 = tpu.memref_squeeze %dma_start3A_73 : memref<1x80xi32, #tpu.memory_space<hbm>> -> memref<80xi32, #tpu.memory_space<hbm>>
        %dma_start3A_75 = arith.constant 0 : i32
        %dma_start3A_76 = tpu.memref_slice %arg4[%add3A_66, %dma_start3A_75] : memref<4000x80xi32, #tpu.memory_space<hbm>> -> memref<1x80xi32, #tpu.memory_space<hbm>>
        %dma_start3A_77 = tpu.memref_squeeze %dma_start3A_76 : memref<1x80xi32, #tpu.memory_space<hbm>> -> memref<80xi32, #tpu.memory_space<hbm>>
        tpu.enqueue_dma source(%dma_start3A_77 : memref<80xi32, #tpu.memory_space<hbm>>) target(%arg7 : memref<80xi32, #tpu.memory_space<vmem>>) target_semaphore(%run_scoped3A : memref<!tpu.dma_semaphore, #tpu.memory_space<semaphore_mem>>)
        %dma_wait3A_78 = arith.constant 0 : i32
        %dma_wait3A_79 = tpu.memref_slice %arg4[%add3A_66, %dma_wait3A_78] : memref<4000x80xi32, #tpu.memory_space<hbm>> -> memref<1x80xi32, #tpu.memory_space<hbm>>
        %dma_wait3A_80 = tpu.memref_squeeze %dma_wait3A_79 : memref<1x80xi32, #tpu.memory_space<hbm>> -> memref<80xi32, #tpu.memory_space<hbm>>
        %dma_wait3A_81 = arith.constant 0 : i32
        %dma_wait3A_82 = tpu.memref_slice %arg4[%add3A_66, %dma_wait3A_81] : memref<4000x80xi32, #tpu.memory_space<hbm>> -> memref<1x80xi32, #tpu.memory_space<hbm>>
        %dma_wait3A_83 = tpu.memref_squeeze %dma_wait3A_82 : memref<1x80xi32, #tpu.memory_space<hbm>> -> memref<80xi32, #tpu.memory_space<hbm>>
        tpu.wait_dma2 semaphore(%run_scoped3A : memref<!tpu.dma_semaphore, #tpu.memory_space<semaphore_mem>>) src(%dma_wait3A_83 : memref<80xi32, #tpu.memory_space<hbm>>) dst(%arg7 : memref<80xi32, #tpu.memory_space<vmem>>)
        tpu.yield
      }) : () -> ()
      %dma_start3A = arith.constant 0 : i32
      %dma_start3A_67 = arith.constant 0 : i32
      %dma_start3A_68 = tpu.memref_slice %arg2[%dma_start3A, %dma_start3A_67] : memref<10000x32xf32, #tpu.memory_space<hbm>> -> memref<10000x32xf32, #tpu.memory_space<hbm>>
      tpu.enqueue_indirect_dma source(%dma_start3A_68 : memref<10000x32xf32, #tpu.memory_space<hbm>>) target(%arg8 : memref<80x32xf32, #tpu.memory_space<vmem>>) offsets(%arg6 : memref<80xi32, #tpu.memory_space<vmem>>) semaphore(%arg11 : memref<!tpu.dma_semaphore, #tpu.memory_space<semaphore_mem>>)
      %dma_wait3A = arith.constant 0 : i32
      %dma_wait3A_69 = arith.constant 0 : i32
      %dma_wait3A_70 = tpu.memref_slice %arg2[%dma_wait3A, %dma_wait3A_69] : memref<10000x32xf32, #tpu.memory_space<hbm>> -> memref<10000x32xf32, #tpu.memory_space<hbm>>
      tpu.wait_indirect_dma semaphore(%arg11 : memref<!tpu.dma_semaphore, #tpu.memory_space<semaphore_mem>>) src(%dma_wait3A_70 : memref<10000x32xf32, #tpu.memory_space<hbm>>) dst(%arg8 : memref<80x32xf32, #tpu.memory_space<vmem>>)
      "tpu.region"() ({
        %run_scoped3A = tpu.sem_alloc : memref<!tpu.dma_semaphore, #tpu.memory_space<semaphore_mem>>
        %dma_start3A_72 = arith.constant 0 : i32
        %dma_start3A_73 = arith.constant 0 : i32
        %dma_start3A_74 = tpu.memref_slice %arg10[%dma_start3A_72, %dma_start3A_73] : memref<10240x32xf32, #tpu.memory_space<vmem_shared>> -> memref<10240x32xf32, #tpu.memory_space<vmem_shared>>
        tpu.enqueue_indirect_dma source(%arg8 : memref<80x32xf32, #tpu.memory_space<vmem>>) target(%dma_start3A_74 : memref<10240x32xf32, #tpu.memory_space<vmem_shared>>) offsets(%arg7 : memref<80xi32, #tpu.memory_space<vmem>>) semaphore(%run_scoped3A : memref<!tpu.dma_semaphore, #tpu.memory_space<semaphore_mem>>) {add = true}
        %dma_wait3A_75 = arith.constant 0 : i32
        %dma_wait3A_76 = arith.constant 0 : i32
        %dma_wait3A_77 = tpu.memref_slice %arg10[%dma_wait3A_75, %dma_wait3A_76] : memref<10240x32xf32, #tpu.memory_space<vmem_shared>> -> memref<10240x32xf32, #tpu.memory_space<vmem_shared>>
        tpu.wait_indirect_dma semaphore(%run_scoped3A : memref<!tpu.dma_semaphore, #tpu.memory_space<semaphore_mem>>) src(%arg8 : memref<80x32xf32, #tpu.memory_space<vmem>>) dst(%dma_wait3A_77 : memref<10240x32xf32, #tpu.memory_space<vmem_shared>>)
        tpu.yield
      }) : () -> ()
      %scan3A_71 = arith.constant 0 : i32
      scf.yield %scan3A_71 : i32
    }
    %scan3A_56 = arith.constant 125 : i32
    %barrier3A_57 = arith.constant 0 : index
    tpu.barrier barrier_id(%barrier3A_57)
    %mul3A_58 = arith.constant 640 : i32
    %mul3A_59 = arith.muli %arg1, %mul3A_58 : i32
    %mul3A_60 = arith.constant 10240 : i32
    %mul3A_61 = arith.muli %arg0, %mul3A_60 : i32
    %add3A_62 = arith.addi %mul3A_61, %mul3A_59 : i32
    "tpu.region"() ({
      %run_scoped3A = tpu.sem_alloc : memref<!tpu.dma_semaphore, #tpu.memory_space<semaphore_mem>>
      %dma_start3A = arith.constant 0 : i32
      %dma_start3A_63 = tpu.memref_slice %arg5[%add3A_62, %dma_start3A] : memref<20480x32xf32, #tpu.memory_space<hbm>> -> memref<640x32xf32, #tpu.memory_space<hbm>>
      %dma_start3A_64 = arith.constant 0 : i32
      %dma_start3A_65 = tpu.memref_slice %arg10[%mul3A_59, %dma_start3A_64] : memref<10240x32xf32, #tpu.memory_space<vmem_shared>> -> memref<640x32xf32, #tpu.memory_space<vmem_shared>>
      tpu.enqueue_dma source(%dma_start3A_65 : memref<640x32xf32, #tpu.memory_space<vmem_shared>>) target(%dma_start3A_63 : memref<640x32xf32, #tpu.memory_space<hbm>>) target_semaphore(%run_scoped3A : memref<!tpu.dma_semaphore, #tpu.memory_space<semaphore_mem>>)
      %dma_wait3A = arith.constant 0 : i32
      %dma_wait3A_66 = tpu.memref_slice %arg5[%add3A_62, %dma_wait3A] : memref<20480x32xf32, #tpu.memory_space<hbm>> -> memref<640x32xf32, #tpu.memory_space<hbm>>
      %dma_wait3A_67 = arith.constant 0 : i32
      %dma_wait3A_68 = tpu.memref_slice %arg10[%mul3A_59, %dma_wait3A_67] : memref<10240x32xf32, #tpu.memory_space<vmem_shared>> -> memref<640x32xf32, #tpu.memory_space<vmem_shared>>
      tpu.wait_dma2 semaphore(%run_scoped3A : memref<!tpu.dma_semaphore, #tpu.memory_space<semaphore_mem>>) src(%dma_wait3A_68 : memref<640x32xf32, #tpu.memory_space<vmem_shared>>) dst(%dma_wait3A_66 : memref<640x32xf32, #tpu.memory_space<hbm>>)
      tpu.yield
    }) : () -> ()
    return
  }
}

#map = affine_map<(d0, d1) -> (0, 0)>
module attributes {stable_mosaic.version = 14 : i64} {
  func.func @_sc_body(%arg0: i32, %arg1: i32, %arg2: memref<20000x64xf32, #tpu.memory_space<hbm>>, %arg3: memref<8000x80xi32, #tpu.memory_space<hbm>>, %arg4: memref<8000x80xi32, #tpu.memory_space<hbm>>, %arg5: memref<20480x64xf32, #tpu.memory_space<hbm>>, %arg6: memref<80xi32, #tpu.memory_space<vmem>>, %arg7: memref<80xi32, #tpu.memory_space<vmem>>, %arg8: memref<80x64xf32, #tpu.memory_space<vmem>>, %arg9: memref<64x64xf32, #tpu.memory_space<vmem>>, %arg10: memref<10240x64xf32, #tpu.memory_space<vmem_shared>>, %arg11: memref<!tpu.dma_semaphore, #tpu.memory_space<semaphore_mem>>) attributes {dimension_semantics = [#tpu.dimension_semantics<core_parallel>, #tpu.dimension_semantics<subcore_parallel>], iteration_bounds = array<i64: 2, 16>, scalar_prefetch = 0 : i64, scratch_operands = 6 : i64, tpu.core_type = #tpu.core_type<sc_vector_subcore>, window_params = [{transform_indices = #map}, {transform_indices = #map}, {transform_indices = #map}, {transform_indices = #map}]} {
    %broadcast_in_dim3A = arith.constant 0.000000e+00 : f32
    %broadcast_in_dim3A_0 = vector.broadcast %broadcast_in_dim3A : f32 to vector<16xf32>
    %scan3A = arith.constant 0 : i32
    %scan3A_1 = arith.constant 0 : i32
    %scan3A_2 = arith.constant 64 : i32
    %scan3A_3 = arith.addi %scan3A_1, %scan3A_2 : i32
    %scan3A_4 = arith.constant 1 : i32
    %scan3A_5 = scf.for %scan3A_63 = %scan3A_1 to %scan3A_3 step %scan3A_4 iter_args(%scan3A_64 = %scan3A) -> (i32)  : i32 {
      %swap3A = arith.index_cast %scan3A_63 : i32 to index
      %swap3A_65 = arith.constant 0 : index
      %swap3A_66 = tpu.vector_load %arg9[%swap3A, %swap3A_65] {strides = array<i32>} : memref<64x64xf32, #tpu.memory_space<vmem>>, vector<1x16xf32>,
      %swap3A_67 = vector.shape_cast %swap3A_66 : vector<1x16xf32> to vector<16xf32>
      %swap3A_68 = vector.shape_cast %broadcast_in_dim3A_0 : vector<16xf32> to vector<1x16xf32>
      tpu.vector_store %arg9[%swap3A, %swap3A_65], %swap3A_68 {strides = array<i32>} : memref<64x64xf32, #tpu.memory_space<vmem>>, vector<1x16xf32>,
      %swap3A_69 = arith.index_cast %scan3A_63 : i32 to index
      %swap3A_70 = arith.constant 16 : index
      %swap3A_71 = tpu.vector_load %arg9[%swap3A_69, %swap3A_70] {strides = array<i32>} : memref<64x64xf32, #tpu.memory_space<vmem>>, vector<1x16xf32>,
      %swap3A_72 = vector.shape_cast %swap3A_71 : vector<1x16xf32> to vector<16xf32>
      %swap3A_73 = vector.shape_cast %broadcast_in_dim3A_0 : vector<16xf32> to vector<1x16xf32>
      tpu.vector_store %arg9[%swap3A_69, %swap3A_70], %swap3A_73 {strides = array<i32>} : memref<64x64xf32, #tpu.memory_space<vmem>>, vector<1x16xf32>,
      %swap3A_74 = arith.index_cast %scan3A_63 : i32 to index
      %swap3A_75 = arith.constant 32 : index
      %swap3A_76 = tpu.vector_load %arg9[%swap3A_74, %swap3A_75] {strides = array<i32>} : memref<64x64xf32, #tpu.memory_space<vmem>>, vector<1x16xf32>,
      %swap3A_77 = vector.shape_cast %swap3A_76 : vector<1x16xf32> to vector<16xf32>
      %swap3A_78 = vector.shape_cast %broadcast_in_dim3A_0 : vector<16xf32> to vector<1x16xf32>
      tpu.vector_store %arg9[%swap3A_74, %swap3A_75], %swap3A_78 {strides = array<i32>} : memref<64x64xf32, #tpu.memory_space<vmem>>, vector<1x16xf32>,
      %swap3A_79 = arith.index_cast %scan3A_63 : i32 to index
      %swap3A_80 = arith.constant 48 : index
      %swap3A_81 = tpu.vector_load %arg9[%swap3A_79, %swap3A_80] {strides = array<i32>} : memref<64x64xf32, #tpu.memory_space<vmem>>, vector<1x16xf32>,
      %swap3A_82 = vector.shape_cast %swap3A_81 : vector<1x16xf32> to vector<16xf32>
      %swap3A_83 = vector.shape_cast %broadcast_in_dim3A_0 : vector<16xf32> to vector<1x16xf32>
      tpu.vector_store %arg9[%swap3A_79, %swap3A_80], %swap3A_83 {strides = array<i32>} : memref<64x64xf32, #tpu.memory_space<vmem>>, vector<1x16xf32>,
      %scan3A_84 = arith.constant 0 : i32
      scf.yield %scan3A_84 : i32
    }
    %scan3A_6 = arith.constant 64 : i32
    %mul3A = arith.constant 640 : i32
    %mul3A_7 = arith.muli %arg1, %mul3A : i32
    %add3A = arith.constant 0 : i32
    %add3A_8 = arith.addi %mul3A_7, %add3A : i32
    "tpu.region"() ({
      %run_scoped3A = tpu.sem_alloc : memref<!tpu.dma_semaphore, #tpu.memory_space<semaphore_mem>>
      %dma_start3A = arith.constant 0 : i32
      %dma_start3A_63 = tpu.memref_slice %arg10[%add3A_8, %dma_start3A] : memref<10240x64xf32, #tpu.memory_space<vmem_shared>> -> memref<64x64xf32, #tpu.memory_space<vmem_shared>>
      %dma_start3A_64 = arith.constant 0 : i32
      %dma_start3A_65 = tpu.memref_slice %arg10[%add3A_8, %dma_start3A_64] : memref<10240x64xf32, #tpu.memory_space<vmem_shared>> -> memref<64x64xf32, #tpu.memory_space<vmem_shared>>
      tpu.enqueue_dma source(%arg9 : memref<64x64xf32, #tpu.memory_space<vmem>>) target(%dma_start3A_65 : memref<64x64xf32, #tpu.memory_space<vmem_shared>>) target_semaphore(%run_scoped3A : memref<!tpu.dma_semaphore, #tpu.memory_space<semaphore_mem>>)
      %dma_wait3A = arith.constant 0 : i32
      %dma_wait3A_66 = tpu.memref_slice %arg10[%add3A_8, %dma_wait3A] : memref<10240x64xf32, #tpu.memory_space<vmem_shared>> -> memref<64x64xf32, #tpu.memory_space<vmem_shared>>
      %dma_wait3A_67 = arith.constant 0 : i32
      %dma_wait3A_68 = tpu.memref_slice %arg10[%add3A_8, %dma_wait3A_67] : memref<10240x64xf32, #tpu.memory_space<vmem_shared>> -> memref<64x64xf32, #tpu.memory_space<vmem_shared>>
      tpu.wait_dma2 semaphore(%run_scoped3A : memref<!tpu.dma_semaphore, #tpu.memory_space<semaphore_mem>>) src(%arg9 : memref<64x64xf32, #tpu.memory_space<vmem>>) dst(%dma_wait3A_68 : memref<64x64xf32, #tpu.memory_space<vmem_shared>>)
      tpu.yield
    }) : () -> ()
    %mul3A_9 = arith.constant 640 : i32
    %mul3A_10 = arith.muli %arg1, %mul3A_9 : i32
    %add3A_11 = arith.constant 64 : i32
    %add3A_12 = arith.addi %mul3A_10, %add3A_11 : i32
    "tpu.region"() ({
      %run_scoped3A = tpu.sem_alloc : memref<!tpu.dma_semaphore, #tpu.memory_space<semaphore_mem>>
      %dma_start3A = arith.constant 0 : i32
      %dma_start3A_63 = tpu.memref_slice %arg10[%add3A_12, %dma_start3A] : memref<10240x64xf32, #tpu.memory_space<vmem_shared>> -> memref<64x64xf32, #tpu.memory_space<vmem_shared>>
      %dma_start3A_64 = arith.constant 0 : i32
      %dma_start3A_65 = tpu.memref_slice %arg10[%add3A_12, %dma_start3A_64] : memref<10240x64xf32, #tpu.memory_space<vmem_shared>> -> memref<64x64xf32, #tpu.memory_space<vmem_shared>>
      tpu.enqueue_dma source(%arg9 : memref<64x64xf32, #tpu.memory_space<vmem>>) target(%dma_start3A_65 : memref<64x64xf32, #tpu.memory_space<vmem_shared>>) target_semaphore(%run_scoped3A : memref<!tpu.dma_semaphore, #tpu.memory_space<semaphore_mem>>)
      %dma_wait3A = arith.constant 0 : i32
      %dma_wait3A_66 = tpu.memref_slice %arg10[%add3A_12, %dma_wait3A] : memref<10240x64xf32, #tpu.memory_space<vmem_shared>> -> memref<64x64xf32, #tpu.memory_space<vmem_shared>>
      %dma_wait3A_67 = arith.constant 0 : i32
      %dma_wait3A_68 = tpu.memref_slice %arg10[%add3A_12, %dma_wait3A_67] : memref<10240x64xf32, #tpu.memory_space<vmem_shared>> -> memref<64x64xf32, #tpu.memory_space<vmem_shared>>
      tpu.wait_dma2 semaphore(%run_scoped3A : memref<!tpu.dma_semaphore, #tpu.memory_space<semaphore_mem>>) src(%arg9 : memref<64x64xf32, #tpu.memory_space<vmem>>) dst(%dma_wait3A_68 : memref<64x64xf32, #tpu.memory_space<vmem_shared>>)
      tpu.yield
    }) : () -> ()
    %mul3A_13 = arith.constant 640 : i32
    %mul3A_14 = arith.muli %arg1, %mul3A_13 : i32
    %add3A_15 = arith.constant 128 : i32
    %add3A_16 = arith.addi %mul3A_14, %add3A_15 : i32
    "tpu.region"() ({
      %run_scoped3A = tpu.sem_alloc : memref<!tpu.dma_semaphore, #tpu.memory_space<semaphore_mem>>
      %dma_start3A = arith.constant 0 : i32
      %dma_start3A_63 = tpu.memref_slice %arg10[%add3A_16, %dma_start3A] : memref<10240x64xf32, #tpu.memory_space<vmem_shared>> -> memref<64x64xf32, #tpu.memory_space<vmem_shared>>
      %dma_start3A_64 = arith.constant 0 : i32
      %dma_start3A_65 = tpu.memref_slice %arg10[%add3A_16, %dma_start3A_64] : memref<10240x64xf32, #tpu.memory_space<vmem_shared>> -> memref<64x64xf32, #tpu.memory_space<vmem_shared>>
      tpu.enqueue_dma source(%arg9 : memref<64x64xf32, #tpu.memory_space<vmem>>) target(%dma_start3A_65 : memref<64x64xf32, #tpu.memory_space<vmem_shared>>) target_semaphore(%run_scoped3A : memref<!tpu.dma_semaphore, #tpu.memory_space<semaphore_mem>>)
      %dma_wait3A = arith.constant 0 : i32
      %dma_wait3A_66 = tpu.memref_slice %arg10[%add3A_16, %dma_wait3A] : memref<10240x64xf32, #tpu.memory_space<vmem_shared>> -> memref<64x64xf32, #tpu.memory_space<vmem_shared>>
      %dma_wait3A_67 = arith.constant 0 : i32
      %dma_wait3A_68 = tpu.memref_slice %arg10[%add3A_16, %dma_wait3A_67] : memref<10240x64xf32, #tpu.memory_space<vmem_shared>> -> memref<64x64xf32, #tpu.memory_space<vmem_shared>>
      tpu.wait_dma2 semaphore(%run_scoped3A : memref<!tpu.dma_semaphore, #tpu.memory_space<semaphore_mem>>) src(%arg9 : memref<64x64xf32, #tpu.memory_space<vmem>>) dst(%dma_wait3A_68 : memref<64x64xf32, #tpu.memory_space<vmem_shared>>)
      tpu.yield
    }) : () -> ()
    %mul3A_17 = arith.constant 640 : i32
    %mul3A_18 = arith.muli %arg1, %mul3A_17 : i32
    %add3A_19 = arith.constant 192 : i32
    %add3A_20 = arith.addi %mul3A_18, %add3A_19 : i32
    "tpu.region"() ({
      %run_scoped3A = tpu.sem_alloc : memref<!tpu.dma_semaphore, #tpu.memory_space<semaphore_mem>>
      %dma_start3A = arith.constant 0 : i32
      %dma_start3A_63 = tpu.memref_slice %arg10[%add3A_20, %dma_start3A] : memref<10240x64xf32, #tpu.memory_space<vmem_shared>> -> memref<64x64xf32, #tpu.memory_space<vmem_shared>>
      %dma_start3A_64 = arith.constant 0 : i32
      %dma_start3A_65 = tpu.memref_slice %arg10[%add3A_20, %dma_start3A_64] : memref<10240x64xf32, #tpu.memory_space<vmem_shared>> -> memref<64x64xf32, #tpu.memory_space<vmem_shared>>
      tpu.enqueue_dma source(%arg9 : memref<64x64xf32, #tpu.memory_space<vmem>>) target(%dma_start3A_65 : memref<64x64xf32, #tpu.memory_space<vmem_shared>>) target_semaphore(%run_scoped3A : memref<!tpu.dma_semaphore, #tpu.memory_space<semaphore_mem>>)
      %dma_wait3A = arith.constant 0 : i32
      %dma_wait3A_66 = tpu.memref_slice %arg10[%add3A_20, %dma_wait3A] : memref<10240x64xf32, #tpu.memory_space<vmem_shared>> -> memref<64x64xf32, #tpu.memory_space<vmem_shared>>
      %dma_wait3A_67 = arith.constant 0 : i32
      %dma_wait3A_68 = tpu.memref_slice %arg10[%add3A_20, %dma_wait3A_67] : memref<10240x64xf32, #tpu.memory_space<vmem_shared>> -> memref<64x64xf32, #tpu.memory_space<vmem_shared>>
      tpu.wait_dma2 semaphore(%run_scoped3A : memref<!tpu.dma_semaphore, #tpu.memory_space<semaphore_mem>>) src(%arg9 : memref<64x64xf32, #tpu.memory_space<vmem>>) dst(%dma_wait3A_68 : memref<64x64xf32, #tpu.memory_space<vmem_shared>>)
      tpu.yield
    }) : () -> ()
    %mul3A_21 = arith.constant 640 : i32
    %mul3A_22 = arith.muli %arg1, %mul3A_21 : i32
    %add3A_23 = arith.constant 256 : i32
    %add3A_24 = arith.addi %mul3A_22, %add3A_23 : i32
    "tpu.region"() ({
      %run_scoped3A = tpu.sem_alloc : memref<!tpu.dma_semaphore, #tpu.memory_space<semaphore_mem>>
      %dma_start3A = arith.constant 0 : i32
      %dma_start3A_63 = tpu.memref_slice %arg10[%add3A_24, %dma_start3A] : memref<10240x64xf32, #tpu.memory_space<vmem_shared>> -> memref<64x64xf32, #tpu.memory_space<vmem_shared>>
      %dma_start3A_64 = arith.constant 0 : i32
      %dma_start3A_65 = tpu.memref_slice %arg10[%add3A_24, %dma_start3A_64] : memref<10240x64xf32, #tpu.memory_space<vmem_shared>> -> memref<64x64xf32, #tpu.memory_space<vmem_shared>>
      tpu.enqueue_dma source(%arg9 : memref<64x64xf32, #tpu.memory_space<vmem>>) target(%dma_start3A_65 : memref<64x64xf32, #tpu.memory_space<vmem_shared>>) target_semaphore(%run_scoped3A : memref<!tpu.dma_semaphore, #tpu.memory_space<semaphore_mem>>)
      %dma_wait3A = arith.constant 0 : i32
      %dma_wait3A_66 = tpu.memref_slice %arg10[%add3A_24, %dma_wait3A] : memref<10240x64xf32, #tpu.memory_space<vmem_shared>> -> memref<64x64xf32, #tpu.memory_space<vmem_shared>>
      %dma_wait3A_67 = arith.constant 0 : i32
      %dma_wait3A_68 = tpu.memref_slice %arg10[%add3A_24, %dma_wait3A_67] : memref<10240x64xf32, #tpu.memory_space<vmem_shared>> -> memref<64x64xf32, #tpu.memory_space<vmem_shared>>
      tpu.wait_dma2 semaphore(%run_scoped3A : memref<!tpu.dma_semaphore, #tpu.memory_space<semaphore_mem>>) src(%arg9 : memref<64x64xf32, #tpu.memory_space<vmem>>) dst(%dma_wait3A_68 : memref<64x64xf32, #tpu.memory_space<vmem_shared>>)
      tpu.yield
    }) : () -> ()
    %mul3A_25 = arith.constant 640 : i32
    %mul3A_26 = arith.muli %arg1, %mul3A_25 : i32
    %add3A_27 = arith.constant 320 : i32
    %add3A_28 = arith.addi %mul3A_26, %add3A_27 : i32
    "tpu.region"() ({
      %run_scoped3A = tpu.sem_alloc : memref<!tpu.dma_semaphore, #tpu.memory_space<semaphore_mem>>
      %dma_start3A = arith.constant 0 : i32
      %dma_start3A_63 = tpu.memref_slice %arg10[%add3A_28, %dma_start3A] : memref<10240x64xf32, #tpu.memory_space<vmem_shared>> -> memref<64x64xf32, #tpu.memory_space<vmem_shared>>
      %dma_start3A_64 = arith.constant 0 : i32
      %dma_start3A_65 = tpu.memref_slice %arg10[%add3A_28, %dma_start3A_64] : memref<10240x64xf32, #tpu.memory_space<vmem_shared>> -> memref<64x64xf32, #tpu.memory_space<vmem_shared>>
      tpu.enqueue_dma source(%arg9 : memref<64x64xf32, #tpu.memory_space<vmem>>) target(%dma_start3A_65 : memref<64x64xf32, #tpu.memory_space<vmem_shared>>) target_semaphore(%run_scoped3A : memref<!tpu.dma_semaphore, #tpu.memory_space<semaphore_mem>>)
      %dma_wait3A = arith.constant 0 : i32
      %dma_wait3A_66 = tpu.memref_slice %arg10[%add3A_28, %dma_wait3A] : memref<10240x64xf32, #tpu.memory_space<vmem_shared>> -> memref<64x64xf32, #tpu.memory_space<vmem_shared>>
      %dma_wait3A_67 = arith.constant 0 : i32
      %dma_wait3A_68 = tpu.memref_slice %arg10[%add3A_28, %dma_wait3A_67] : memref<10240x64xf32, #tpu.memory_space<vmem_shared>> -> memref<64x64xf32, #tpu.memory_space<vmem_shared>>
      tpu.wait_dma2 semaphore(%run_scoped3A : memref<!tpu.dma_semaphore, #tpu.memory_space<semaphore_mem>>) src(%arg9 : memref<64x64xf32, #tpu.memory_space<vmem>>) dst(%dma_wait3A_68 : memref<64x64xf32, #tpu.memory_space<vmem_shared>>)
      tpu.yield
    }) : () -> ()
    %mul3A_29 = arith.constant 640 : i32
    %mul3A_30 = arith.muli %arg1, %mul3A_29 : i32
    %add3A_31 = arith.constant 384 : i32
    %add3A_32 = arith.addi %mul3A_30, %add3A_31 : i32
    "tpu.region"() ({
      %run_scoped3A = tpu.sem_alloc : memref<!tpu.dma_semaphore, #tpu.memory_space<semaphore_mem>>
      %dma_start3A = arith.constant 0 : i32
      %dma_start3A_63 = tpu.memref_slice %arg10[%add3A_32, %dma_start3A] : memref<10240x64xf32, #tpu.memory_space<vmem_shared>> -> memref<64x64xf32, #tpu.memory_space<vmem_shared>>
      %dma_start3A_64 = arith.constant 0 : i32
      %dma_start3A_65 = tpu.memref_slice %arg10[%add3A_32, %dma_start3A_64] : memref<10240x64xf32, #tpu.memory_space<vmem_shared>> -> memref<64x64xf32, #tpu.memory_space<vmem_shared>>
      tpu.enqueue_dma source(%arg9 : memref<64x64xf32, #tpu.memory_space<vmem>>) target(%dma_start3A_65 : memref<64x64xf32, #tpu.memory_space<vmem_shared>>) target_semaphore(%run_scoped3A : memref<!tpu.dma_semaphore, #tpu.memory_space<semaphore_mem>>)
      %dma_wait3A = arith.constant 0 : i32
      %dma_wait3A_66 = tpu.memref_slice %arg10[%add3A_32, %dma_wait3A] : memref<10240x64xf32, #tpu.memory_space<vmem_shared>> -> memref<64x64xf32, #tpu.memory_space<vmem_shared>>
      %dma_wait3A_67 = arith.constant 0 : i32
      %dma_wait3A_68 = tpu.memref_slice %arg10[%add3A_32, %dma_wait3A_67] : memref<10240x64xf32, #tpu.memory_space<vmem_shared>> -> memref<64x64xf32, #tpu.memory_space<vmem_shared>>
      tpu.wait_dma2 semaphore(%run_scoped3A : memref<!tpu.dma_semaphore, #tpu.memory_space<semaphore_mem>>) src(%arg9 : memref<64x64xf32, #tpu.memory_space<vmem>>) dst(%dma_wait3A_68 : memref<64x64xf32, #tpu.memory_space<vmem_shared>>)
      tpu.yield
    }) : () -> ()
    %mul3A_33 = arith.constant 640 : i32
    %mul3A_34 = arith.muli %arg1, %mul3A_33 : i32
    %add3A_35 = arith.constant 448 : i32
    %add3A_36 = arith.addi %mul3A_34, %add3A_35 : i32
    "tpu.region"() ({
      %run_scoped3A = tpu.sem_alloc : memref<!tpu.dma_semaphore, #tpu.memory_space<semaphore_mem>>
      %dma_start3A = arith.constant 0 : i32
      %dma_start3A_63 = tpu.memref_slice %arg10[%add3A_36, %dma_start3A] : memref<10240x64xf32, #tpu.memory_space<vmem_shared>> -> memref<64x64xf32, #tpu.memory_space<vmem_shared>>
      %dma_start3A_64 = arith.constant 0 : i32
      %dma_start3A_65 = tpu.memref_slice %arg10[%add3A_36, %dma_start3A_64] : memref<10240x64xf32, #tpu.memory_space<vmem_shared>> -> memref<64x64xf32, #tpu.memory_space<vmem_shared>>
      tpu.enqueue_dma source(%arg9 : memref<64x64xf32, #tpu.memory_space<vmem>>) target(%dma_start3A_65 : memref<64x64xf32, #tpu.memory_space<vmem_shared>>) target_semaphore(%run_scoped3A : memref<!tpu.dma_semaphore, #tpu.memory_space<semaphore_mem>>)
      %dma_wait3A = arith.constant 0 : i32
      %dma_wait3A_66 = tpu.memref_slice %arg10[%add3A_36, %dma_wait3A] : memref<10240x64xf32, #tpu.memory_space<vmem_shared>> -> memref<64x64xf32, #tpu.memory_space<vmem_shared>>
      %dma_wait3A_67 = arith.constant 0 : i32
      %dma_wait3A_68 = tpu.memref_slice %arg10[%add3A_36, %dma_wait3A_67] : memref<10240x64xf32, #tpu.memory_space<vmem_shared>> -> memref<64x64xf32, #tpu.memory_space<vmem_shared>>
      tpu.wait_dma2 semaphore(%run_scoped3A : memref<!tpu.dma_semaphore, #tpu.memory_space<semaphore_mem>>) src(%arg9 : memref<64x64xf32, #tpu.memory_space<vmem>>) dst(%dma_wait3A_68 : memref<64x64xf32, #tpu.memory_space<vmem_shared>>)
      tpu.yield
    }) : () -> ()
    %mul3A_37 = arith.constant 640 : i32
    %mul3A_38 = arith.muli %arg1, %mul3A_37 : i32
    %add3A_39 = arith.constant 512 : i32
    %add3A_40 = arith.addi %mul3A_38, %add3A_39 : i32
    "tpu.region"() ({
      %run_scoped3A = tpu.sem_alloc : memref<!tpu.dma_semaphore, #tpu.memory_space<semaphore_mem>>
      %dma_start3A = arith.constant 0 : i32
      %dma_start3A_63 = tpu.memref_slice %arg10[%add3A_40, %dma_start3A] : memref<10240x64xf32, #tpu.memory_space<vmem_shared>> -> memref<64x64xf32, #tpu.memory_space<vmem_shared>>
      %dma_start3A_64 = arith.constant 0 : i32
      %dma_start3A_65 = tpu.memref_slice %arg10[%add3A_40, %dma_start3A_64] : memref<10240x64xf32, #tpu.memory_space<vmem_shared>> -> memref<64x64xf32, #tpu.memory_space<vmem_shared>>
      tpu.enqueue_dma source(%arg9 : memref<64x64xf32, #tpu.memory_space<vmem>>) target(%dma_start3A_65 : memref<64x64xf32, #tpu.memory_space<vmem_shared>>) target_semaphore(%run_scoped3A : memref<!tpu.dma_semaphore, #tpu.memory_space<semaphore_mem>>)
      %dma_wait3A = arith.constant 0 : i32
      %dma_wait3A_66 = tpu.memref_slice %arg10[%add3A_40, %dma_wait3A] : memref<10240x64xf32, #tpu.memory_space<vmem_shared>> -> memref<64x64xf32, #tpu.memory_space<vmem_shared>>
      %dma_wait3A_67 = arith.constant 0 : i32
      %dma_wait3A_68 = tpu.memref_slice %arg10[%add3A_40, %dma_wait3A_67] : memref<10240x64xf32, #tpu.memory_space<vmem_shared>> -> memref<64x64xf32, #tpu.memory_space<vmem_shared>>
      tpu.wait_dma2 semaphore(%run_scoped3A : memref<!tpu.dma_semaphore, #tpu.memory_space<semaphore_mem>>) src(%arg9 : memref<64x64xf32, #tpu.memory_space<vmem>>) dst(%dma_wait3A_68 : memref<64x64xf32, #tpu.memory_space<vmem_shared>>)
      tpu.yield
    }) : () -> ()
    %mul3A_41 = arith.constant 640 : i32
    %mul3A_42 = arith.muli %arg1, %mul3A_41 : i32
    %add3A_43 = arith.constant 576 : i32
    %add3A_44 = arith.addi %mul3A_42, %add3A_43 : i32
    "tpu.region"() ({
      %run_scoped3A = tpu.sem_alloc : memref<!tpu.dma_semaphore, #tpu.memory_space<semaphore_mem>>
      %dma_start3A = arith.constant 0 : i32
      %dma_start3A_63 = tpu.memref_slice %arg10[%add3A_44, %dma_start3A] : memref<10240x64xf32, #tpu.memory_space<vmem_shared>> -> memref<64x64xf32, #tpu.memory_space<vmem_shared>>
      %dma_start3A_64 = arith.constant 0 : i32
      %dma_start3A_65 = tpu.memref_slice %arg10[%add3A_44, %dma_start3A_64] : memref<10240x64xf32, #tpu.memory_space<vmem_shared>> -> memref<64x64xf32, #tpu.memory_space<vmem_shared>>
      tpu.enqueue_dma source(%arg9 : memref<64x64xf32, #tpu.memory_space<vmem>>) target(%dma_start3A_65 : memref<64x64xf32, #tpu.memory_space<vmem_shared>>) target_semaphore(%run_scoped3A : memref<!tpu.dma_semaphore, #tpu.memory_space<semaphore_mem>>)
      %dma_wait3A = arith.constant 0 : i32
      %dma_wait3A_66 = tpu.memref_slice %arg10[%add3A_44, %dma_wait3A] : memref<10240x64xf32, #tpu.memory_space<vmem_shared>> -> memref<64x64xf32, #tpu.memory_space<vmem_shared>>
      %dma_wait3A_67 = arith.constant 0 : i32
      %dma_wait3A_68 = tpu.memref_slice %arg10[%add3A_44, %dma_wait3A_67] : memref<10240x64xf32, #tpu.memory_space<vmem_shared>> -> memref<64x64xf32, #tpu.memory_space<vmem_shared>>
      tpu.wait_dma2 semaphore(%run_scoped3A : memref<!tpu.dma_semaphore, #tpu.memory_space<semaphore_mem>>) src(%arg9 : memref<64x64xf32, #tpu.memory_space<vmem>>) dst(%dma_wait3A_68 : memref<64x64xf32, #tpu.memory_space<vmem_shared>>)
      tpu.yield
    }) : () -> ()
    %barrier3A = arith.constant 0 : index
    tpu.barrier barrier_id(%barrier3A)
    %mul3A_45 = arith.constant 4000 : i32
    %mul3A_46 = arith.muli %arg0, %mul3A_45 : i32
    %mul3A_47 = arith.constant 250 : i32
    %mul3A_48 = arith.muli %arg1, %mul3A_47 : i32
    %add3A_49 = arith.addi %mul3A_46, %mul3A_48 : i32
    %scan3A_50 = arith.constant 0 : i32
    %scan3A_51 = arith.constant 0 : i32
    %scan3A_52 = arith.constant 250 : i32
    %scan3A_53 = arith.addi %scan3A_51, %scan3A_52 : i32
    %scan3A_54 = arith.constant 1 : i32
    %scan3A_55 = scf.for %scan3A_63 = %scan3A_51 to %scan3A_53 step %scan3A_54 iter_args(%scan3A_64 = %scan3A_50) -> (i32)  : i32 {
      %add3A_65 = arith.addi %add3A_49, %scan3A_63 : i32
      "tpu.region"() ({
        %run_scoped3A = tpu.sem_alloc : memref<!tpu.dma_semaphore, #tpu.memory_space<semaphore_mem>>
        %dma_start3A_72 = arith.constant 0 : i32
        %dma_start3A_73 = tpu.memref_slice %arg3[%add3A_65, %dma_start3A_72] : memref<8000x80xi32, #tpu.memory_space<hbm>> -> memref<1x80xi32, #tpu.memory_space<hbm>>
        %dma_start3A_74 = tpu.memref_squeeze %dma_start3A_73 : memref<1x80xi32, #tpu.memory_space<hbm>> -> memref<80xi32, #tpu.memory_space<hbm>>
        %dma_start3A_75 = arith.constant 0 : i32
        %dma_start3A_76 = tpu.memref_slice %arg3[%add3A_65, %dma_start3A_75] : memref<8000x80xi32, #tpu.memory_space<hbm>> -> memref<1x80xi32, #tpu.memory_space<hbm>>
        %dma_start3A_77 = tpu.memref_squeeze %dma_start3A_76 : memref<1x80xi32, #tpu.memory_space<hbm>> -> memref<80xi32, #tpu.memory_space<hbm>>
        tpu.enqueue_dma source(%dma_start3A_77 : memref<80xi32, #tpu.memory_space<hbm>>) target(%arg6 : memref<80xi32, #tpu.memory_space<vmem>>) target_semaphore(%run_scoped3A : memref<!tpu.dma_semaphore, #tpu.memory_space<semaphore_mem>>)
        %dma_wait3A_78 = arith.constant 0 : i32
        %dma_wait3A_79 = tpu.memref_slice %arg3[%add3A_65, %dma_wait3A_78] : memref<8000x80xi32, #tpu.memory_space<hbm>> -> memref<1x80xi32, #tpu.memory_space<hbm>>
        %dma_wait3A_80 = tpu.memref_squeeze %dma_wait3A_79 : memref<1x80xi32, #tpu.memory_space<hbm>> -> memref<80xi32, #tpu.memory_space<hbm>>
        %dma_wait3A_81 = arith.constant 0 : i32
        %dma_wait3A_82 = tpu.memref_slice %arg3[%add3A_65, %dma_wait3A_81] : memref<8000x80xi32, #tpu.memory_space<hbm>> -> memref<1x80xi32, #tpu.memory_space<hbm>>
        %dma_wait3A_83 = tpu.memref_squeeze %dma_wait3A_82 : memref<1x80xi32, #tpu.memory_space<hbm>> -> memref<80xi32, #tpu.memory_space<hbm>>
        tpu.wait_dma2 semaphore(%run_scoped3A : memref<!tpu.dma_semaphore, #tpu.memory_space<semaphore_mem>>) src(%dma_wait3A_83 : memref<80xi32, #tpu.memory_space<hbm>>) dst(%arg6 : memref<80xi32, #tpu.memory_space<vmem>>)
        tpu.yield
      }) : () -> ()
      %add3A_66 = arith.addi %add3A_49, %scan3A_63 : i32
      "tpu.region"() ({
        %run_scoped3A = tpu.sem_alloc : memref<!tpu.dma_semaphore, #tpu.memory_space<semaphore_mem>>
        %dma_start3A_72 = arith.constant 0 : i32
        %dma_start3A_73 = tpu.memref_slice %arg4[%add3A_66, %dma_start3A_72] : memref<8000x80xi32, #tpu.memory_space<hbm>> -> memref<1x80xi32, #tpu.memory_space<hbm>>
        %dma_start3A_74 = tpu.memref_squeeze %dma_start3A_73 : memref<1x80xi32, #tpu.memory_space<hbm>> -> memref<80xi32, #tpu.memory_space<hbm>>
        %dma_start3A_75 = arith.constant 0 : i32
        %dma_start3A_76 = tpu.memref_slice %arg4[%add3A_66, %dma_start3A_75] : memref<8000x80xi32, #tpu.memory_space<hbm>> -> memref<1x80xi32, #tpu.memory_space<hbm>>
        %dma_start3A_77 = tpu.memref_squeeze %dma_start3A_76 : memref<1x80xi32, #tpu.memory_space<hbm>> -> memref<80xi32, #tpu.memory_space<hbm>>
        tpu.enqueue_dma source(%dma_start3A_77 : memref<80xi32, #tpu.memory_space<hbm>>) target(%arg7 : memref<80xi32, #tpu.memory_space<vmem>>) target_semaphore(%run_scoped3A : memref<!tpu.dma_semaphore, #tpu.memory_space<semaphore_mem>>)
        %dma_wait3A_78 = arith.constant 0 : i32
        %dma_wait3A_79 = tpu.memref_slice %arg4[%add3A_66, %dma_wait3A_78] : memref<8000x80xi32, #tpu.memory_space<hbm>> -> memref<1x80xi32, #tpu.memory_space<hbm>>
        %dma_wait3A_80 = tpu.memref_squeeze %dma_wait3A_79 : memref<1x80xi32, #tpu.memory_space<hbm>> -> memref<80xi32, #tpu.memory_space<hbm>>
        %dma_wait3A_81 = arith.constant 0 : i32
        %dma_wait3A_82 = tpu.memref_slice %arg4[%add3A_66, %dma_wait3A_81] : memref<8000x80xi32, #tpu.memory_space<hbm>> -> memref<1x80xi32, #tpu.memory_space<hbm>>
        %dma_wait3A_83 = tpu.memref_squeeze %dma_wait3A_82 : memref<1x80xi32, #tpu.memory_space<hbm>> -> memref<80xi32, #tpu.memory_space<hbm>>
        tpu.wait_dma2 semaphore(%run_scoped3A : memref<!tpu.dma_semaphore, #tpu.memory_space<semaphore_mem>>) src(%dma_wait3A_83 : memref<80xi32, #tpu.memory_space<hbm>>) dst(%arg7 : memref<80xi32, #tpu.memory_space<vmem>>)
        tpu.yield
      }) : () -> ()
      %dma_start3A = arith.constant 0 : i32
      %dma_start3A_67 = arith.constant 0 : i32
      %dma_start3A_68 = tpu.memref_slice %arg2[%dma_start3A, %dma_start3A_67] : memref<20000x64xf32, #tpu.memory_space<hbm>> -> memref<20000x64xf32, #tpu.memory_space<hbm>>
      tpu.enqueue_indirect_dma source(%dma_start3A_68 : memref<20000x64xf32, #tpu.memory_space<hbm>>) target(%arg8 : memref<80x64xf32, #tpu.memory_space<vmem>>) offsets(%arg6 : memref<80xi32, #tpu.memory_space<vmem>>) semaphore(%arg11 : memref<!tpu.dma_semaphore, #tpu.memory_space<semaphore_mem>>)
      %dma_wait3A = arith.constant 0 : i32
      %dma_wait3A_69 = arith.constant 0 : i32
      %dma_wait3A_70 = tpu.memref_slice %arg2[%dma_wait3A, %dma_wait3A_69] : memref<20000x64xf32, #tpu.memory_space<hbm>> -> memref<20000x64xf32, #tpu.memory_space<hbm>>
      tpu.wait_indirect_dma semaphore(%arg11 : memref<!tpu.dma_semaphore, #tpu.memory_space<semaphore_mem>>) src(%dma_wait3A_70 : memref<20000x64xf32, #tpu.memory_space<hbm>>) dst(%arg8 : memref<80x64xf32, #tpu.memory_space<vmem>>)
      "tpu.region"() ({
        %run_scoped3A = tpu.sem_alloc : memref<!tpu.dma_semaphore, #tpu.memory_space<semaphore_mem>>
        %dma_start3A_72 = arith.constant 0 : i32
        %dma_start3A_73 = arith.constant 0 : i32
        %dma_start3A_74 = tpu.memref_slice %arg10[%dma_start3A_72, %dma_start3A_73] : memref<10240x64xf32, #tpu.memory_space<vmem_shared>> -> memref<10240x64xf32, #tpu.memory_space<vmem_shared>>
        tpu.enqueue_indirect_dma source(%arg8 : memref<80x64xf32, #tpu.memory_space<vmem>>) target(%dma_start3A_74 : memref<10240x64xf32, #tpu.memory_space<vmem_shared>>) offsets(%arg7 : memref<80xi32, #tpu.memory_space<vmem>>) semaphore(%run_scoped3A : memref<!tpu.dma_semaphore, #tpu.memory_space<semaphore_mem>>) {add = true}
        %dma_wait3A_75 = arith.constant 0 : i32
        %dma_wait3A_76 = arith.constant 0 : i32
        %dma_wait3A_77 = tpu.memref_slice %arg10[%dma_wait3A_75, %dma_wait3A_76] : memref<10240x64xf32, #tpu.memory_space<vmem_shared>> -> memref<10240x64xf32, #tpu.memory_space<vmem_shared>>
        tpu.wait_indirect_dma semaphore(%run_scoped3A : memref<!tpu.dma_semaphore, #tpu.memory_space<semaphore_mem>>) src(%arg8 : memref<80x64xf32, #tpu.memory_space<vmem>>) dst(%dma_wait3A_77 : memref<10240x64xf32, #tpu.memory_space<vmem_shared>>)
        tpu.yield
      }) : () -> ()
      %scan3A_71 = arith.constant 0 : i32
      scf.yield %scan3A_71 : i32
    }
    %scan3A_56 = arith.constant 250 : i32
    %barrier3A_57 = arith.constant 0 : index
    tpu.barrier barrier_id(%barrier3A_57)
    %mul3A_58 = arith.constant 640 : i32
    %mul3A_59 = arith.muli %arg1, %mul3A_58 : i32
    %mul3A_60 = arith.constant 10240 : i32
    %mul3A_61 = arith.muli %arg0, %mul3A_60 : i32
    %add3A_62 = arith.addi %mul3A_61, %mul3A_59 : i32
    "tpu.region"() ({
      %run_scoped3A = tpu.sem_alloc : memref<!tpu.dma_semaphore, #tpu.memory_space<semaphore_mem>>
      %dma_start3A = arith.constant 0 : i32
      %dma_start3A_63 = tpu.memref_slice %arg5[%add3A_62, %dma_start3A] : memref<20480x64xf32, #tpu.memory_space<hbm>> -> memref<640x64xf32, #tpu.memory_space<hbm>>
      %dma_start3A_64 = arith.constant 0 : i32
      %dma_start3A_65 = tpu.memref_slice %arg10[%mul3A_59, %dma_start3A_64] : memref<10240x64xf32, #tpu.memory_space<vmem_shared>> -> memref<640x64xf32, #tpu.memory_space<vmem_shared>>
      tpu.enqueue_dma source(%dma_start3A_65 : memref<640x64xf32, #tpu.memory_space<vmem_shared>>) target(%dma_start3A_63 : memref<640x64xf32, #tpu.memory_space<hbm>>) target_semaphore(%run_scoped3A : memref<!tpu.dma_semaphore, #tpu.memory_space<semaphore_mem>>)
      %dma_wait3A = arith.constant 0 : i32
      %dma_wait3A_66 = tpu.memref_slice %arg5[%add3A_62, %dma_wait3A] : memref<20480x64xf32, #tpu.memory_space<hbm>> -> memref<640x64xf32, #tpu.memory_space<hbm>>
      %dma_wait3A_67 = arith.constant 0 : i32
      %dma_wait3A_68 = tpu.memref_slice %arg10[%mul3A_59, %dma_wait3A_67] : memref<10240x64xf32, #tpu.memory_space<vmem_shared>> -> memref<640x64xf32, #tpu.memory_space<vmem_shared>>
      tpu.wait_dma2 semaphore(%run_scoped3A : memref<!tpu.dma_semaphore, #tpu.memory_space<semaphore_mem>>) src(%dma_wait3A_68 : memref<640x64xf32, #tpu.memory_space<vmem_shared>>) dst(%dma_wait3A_66 : memref<640x64xf32, #tpu.memory_space<hbm>>)
      tpu.yield
    }) : () -> ()
    return
  }
}

#map = affine_map<(d0, d1) -> (0, 0)>
module attributes {stable_mosaic.version = 14 : i64} {
  func.func @_sc_body(%arg0: i32, %arg1: i32, %arg2: memref<10000x32xf32, #tpu.memory_space<hbm>>, %arg3: memref<4000x80xi32, #tpu.memory_space<hbm>>, %arg4: memref<4000x80xi32, #tpu.memory_space<hbm>>, %arg5: memref<20480x32xf32, #tpu.memory_space<hbm>>, %arg6: memref<80xi32, #tpu.memory_space<vmem>>, %arg7: memref<80xi32, #tpu.memory_space<vmem>>, %arg8: memref<80x32xf32, #tpu.memory_space<vmem>>, %arg9: memref<64x32xf32, #tpu.memory_space<vmem>>, %arg10: memref<10240x32xf32, #tpu.memory_space<vmem_shared>>, %arg11: memref<!tpu.dma_semaphore, #tpu.memory_space<semaphore_mem>>) attributes {dimension_semantics = [#tpu.dimension_semantics<core_parallel>, #tpu.dimension_semantics<subcore_parallel>], iteration_bounds = array<i64: 2, 16>, scalar_prefetch = 0 : i64, scratch_operands = 6 : i64, tpu.core_type = #tpu.core_type<sc_vector_subcore>, window_params = [{transform_indices = #map}, {transform_indices = #map}, {transform_indices = #map}, {transform_indices = #map}]} {
    %broadcast_in_dim3A = arith.constant 0.000000e+00 : f32
    %broadcast_in_dim3A_0 = vector.broadcast %broadcast_in_dim3A : f32 to vector<16xf32>
    %scan3A = arith.constant 0 : i32
    %scan3A_1 = arith.constant 0 : i32
    %scan3A_2 = arith.constant 64 : i32
    %scan3A_3 = arith.addi %scan3A_1, %scan3A_2 : i32
    %scan3A_4 = arith.constant 1 : i32
    %scan3A_5 = scf.for %scan3A_63 = %scan3A_1 to %scan3A_3 step %scan3A_4 iter_args(%scan3A_64 = %scan3A) -> (i32)  : i32 {
      %swap3A = arith.index_cast %scan3A_63 : i32 to index
      %swap3A_65 = arith.constant 0 : index
      %swap3A_66 = tpu.vector_load %arg9[%swap3A, %swap3A_65] {strides = array<i32>} : memref<64x32xf32, #tpu.memory_space<vmem>>, vector<1x16xf32>,
      %swap3A_67 = vector.shape_cast %swap3A_66 : vector<1x16xf32> to vector<16xf32>
      %swap3A_68 = vector.shape_cast %broadcast_in_dim3A_0 : vector<16xf32> to vector<1x16xf32>
      tpu.vector_store %arg9[%swap3A, %swap3A_65], %swap3A_68 {strides = array<i32>} : memref<64x32xf32, #tpu.memory_space<vmem>>, vector<1x16xf32>,
      %swap3A_69 = arith.index_cast %scan3A_63 : i32 to index
      %swap3A_70 = arith.constant 16 : index
      %swap3A_71 = tpu.vector_load %arg9[%swap3A_69, %swap3A_70] {strides = array<i32>} : memref<64x32xf32, #tpu.memory_space<vmem>>, vector<1x16xf32>,
      %swap3A_72 = vector.shape_cast %swap3A_71 : vector<1x16xf32> to vector<16xf32>
      %swap3A_73 = vector.shape_cast %broadcast_in_dim3A_0 : vector<16xf32> to vector<1x16xf32>
      tpu.vector_store %arg9[%swap3A_69, %swap3A_70], %swap3A_73 {strides = array<i32>} : memref<64x32xf32, #tpu.memory_space<vmem>>, vector<1x16xf32>,
      %scan3A_74 = arith.constant 0 : i32
      scf.yield %scan3A_74 : i32
    }
    %scan3A_6 = arith.constant 64 : i32
    %mul3A = arith.constant 640 : i32
    %mul3A_7 = arith.muli %arg1, %mul3A : i32
    %add3A = arith.constant 0 : i32
    %add3A_8 = arith.addi %mul3A_7, %add3A : i32
    "tpu.region"() ({
      %run_scoped3A = tpu.sem_alloc : memref<!tpu.dma_semaphore, #tpu.memory_space<semaphore_mem>>
      %dma_start3A = arith.constant 0 : i32
      %dma_start3A_63 = tpu.memref_slice %arg10[%add3A_8, %dma_start3A] : memref<10240x32xf32, #tpu.memory_space<vmem_shared>> -> memref<64x32xf32, #tpu.memory_space<vmem_shared>>
      %dma_start3A_64 = arith.constant 0 : i32
      %dma_start3A_65 = tpu.memref_slice %arg10[%add3A_8, %dma_start3A_64] : memref<10240x32xf32, #tpu.memory_space<vmem_shared>> -> memref<64x32xf32, #tpu.memory_space<vmem_shared>>
      tpu.enqueue_dma source(%arg9 : memref<64x32xf32, #tpu.memory_space<vmem>>) target(%dma_start3A_65 : memref<64x32xf32, #tpu.memory_space<vmem_shared>>) target_semaphore(%run_scoped3A : memref<!tpu.dma_semaphore, #tpu.memory_space<semaphore_mem>>)
      %dma_wait3A = arith.constant 0 : i32
      %dma_wait3A_66 = tpu.memref_slice %arg10[%add3A_8, %dma_wait3A] : memref<10240x32xf32, #tpu.memory_space<vmem_shared>> -> memref<64x32xf32, #tpu.memory_space<vmem_shared>>
      %dma_wait3A_67 = arith.constant 0 : i32
      %dma_wait3A_68 = tpu.memref_slice %arg10[%add3A_8, %dma_wait3A_67] : memref<10240x32xf32, #tpu.memory_space<vmem_shared>> -> memref<64x32xf32, #tpu.memory_space<vmem_shared>>
      tpu.wait_dma2 semaphore(%run_scoped3A : memref<!tpu.dma_semaphore, #tpu.memory_space<semaphore_mem>>) src(%arg9 : memref<64x32xf32, #tpu.memory_space<vmem>>) dst(%dma_wait3A_68 : memref<64x32xf32, #tpu.memory_space<vmem_shared>>)
      tpu.yield
    }) : () -> ()
    %mul3A_9 = arith.constant 640 : i32
    %mul3A_10 = arith.muli %arg1, %mul3A_9 : i32
    %add3A_11 = arith.constant 64 : i32
    %add3A_12 = arith.addi %mul3A_10, %add3A_11 : i32
    "tpu.region"() ({
      %run_scoped3A = tpu.sem_alloc : memref<!tpu.dma_semaphore, #tpu.memory_space<semaphore_mem>>
      %dma_start3A = arith.constant 0 : i32
      %dma_start3A_63 = tpu.memref_slice %arg10[%add3A_12, %dma_start3A] : memref<10240x32xf32, #tpu.memory_space<vmem_shared>> -> memref<64x32xf32, #tpu.memory_space<vmem_shared>>
      %dma_start3A_64 = arith.constant 0 : i32
      %dma_start3A_65 = tpu.memref_slice %arg10[%add3A_12, %dma_start3A_64] : memref<10240x32xf32, #tpu.memory_space<vmem_shared>> -> memref<64x32xf32, #tpu.memory_space<vmem_shared>>
      tpu.enqueue_dma source(%arg9 : memref<64x32xf32, #tpu.memory_space<vmem>>) target(%dma_start3A_65 : memref<64x32xf32, #tpu.memory_space<vmem_shared>>) target_semaphore(%run_scoped3A : memref<!tpu.dma_semaphore, #tpu.memory_space<semaphore_mem>>)
      %dma_wait3A = arith.constant 0 : i32
      %dma_wait3A_66 = tpu.memref_slice %arg10[%add3A_12, %dma_wait3A] : memref<10240x32xf32, #tpu.memory_space<vmem_shared>> -> memref<64x32xf32, #tpu.memory_space<vmem_shared>>
      %dma_wait3A_67 = arith.constant 0 : i32
      %dma_wait3A_68 = tpu.memref_slice %arg10[%add3A_12, %dma_wait3A_67] : memref<10240x32xf32, #tpu.memory_space<vmem_shared>> -> memref<64x32xf32, #tpu.memory_space<vmem_shared>>
      tpu.wait_dma2 semaphore(%run_scoped3A : memref<!tpu.dma_semaphore, #tpu.memory_space<semaphore_mem>>) src(%arg9 : memref<64x32xf32, #tpu.memory_space<vmem>>) dst(%dma_wait3A_68 : memref<64x32xf32, #tpu.memory_space<vmem_shared>>)
      tpu.yield
    }) : () -> ()
    %mul3A_13 = arith.constant 640 : i32
    %mul3A_14 = arith.muli %arg1, %mul3A_13 : i32
    %add3A_15 = arith.constant 128 : i32
    %add3A_16 = arith.addi %mul3A_14, %add3A_15 : i32
    "tpu.region"() ({
      %run_scoped3A = tpu.sem_alloc : memref<!tpu.dma_semaphore, #tpu.memory_space<semaphore_mem>>
      %dma_start3A = arith.constant 0 : i32
      %dma_start3A_63 = tpu.memref_slice %arg10[%add3A_16, %dma_start3A] : memref<10240x32xf32, #tpu.memory_space<vmem_shared>> -> memref<64x32xf32, #tpu.memory_space<vmem_shared>>
      %dma_start3A_64 = arith.constant 0 : i32
      %dma_start3A_65 = tpu.memref_slice %arg10[%add3A_16, %dma_start3A_64] : memref<10240x32xf32, #tpu.memory_space<vmem_shared>> -> memref<64x32xf32, #tpu.memory_space<vmem_shared>>
      tpu.enqueue_dma source(%arg9 : memref<64x32xf32, #tpu.memory_space<vmem>>) target(%dma_start3A_65 : memref<64x32xf32, #tpu.memory_space<vmem_shared>>) target_semaphore(%run_scoped3A : memref<!tpu.dma_semaphore, #tpu.memory_space<semaphore_mem>>)
      %dma_wait3A = arith.constant 0 : i32
      %dma_wait3A_66 = tpu.memref_slice %arg10[%add3A_16, %dma_wait3A] : memref<10240x32xf32, #tpu.memory_space<vmem_shared>> -> memref<64x32xf32, #tpu.memory_space<vmem_shared>>
      %dma_wait3A_67 = arith.constant 0 : i32
      %dma_wait3A_68 = tpu.memref_slice %arg10[%add3A_16, %dma_wait3A_67] : memref<10240x32xf32, #tpu.memory_space<vmem_shared>> -> memref<64x32xf32, #tpu.memory_space<vmem_shared>>
      tpu.wait_dma2 semaphore(%run_scoped3A : memref<!tpu.dma_semaphore, #tpu.memory_space<semaphore_mem>>) src(%arg9 : memref<64x32xf32, #tpu.memory_space<vmem>>) dst(%dma_wait3A_68 : memref<64x32xf32, #tpu.memory_space<vmem_shared>>)
      tpu.yield
    }) : () -> ()
    %mul3A_17 = arith.constant 640 : i32
    %mul3A_18 = arith.muli %arg1, %mul3A_17 : i32
    %add3A_19 = arith.constant 192 : i32
    %add3A_20 = arith.addi %mul3A_18, %add3A_19 : i32
    "tpu.region"() ({
      %run_scoped3A = tpu.sem_alloc : memref<!tpu.dma_semaphore, #tpu.memory_space<semaphore_mem>>
      %dma_start3A = arith.constant 0 : i32
      %dma_start3A_63 = tpu.memref_slice %arg10[%add3A_20, %dma_start3A] : memref<10240x32xf32, #tpu.memory_space<vmem_shared>> -> memref<64x32xf32, #tpu.memory_space<vmem_shared>>
      %dma_start3A_64 = arith.constant 0 : i32
      %dma_start3A_65 = tpu.memref_slice %arg10[%add3A_20, %dma_start3A_64] : memref<10240x32xf32, #tpu.memory_space<vmem_shared>> -> memref<64x32xf32, #tpu.memory_space<vmem_shared>>
      tpu.enqueue_dma source(%arg9 : memref<64x32xf32, #tpu.memory_space<vmem>>) target(%dma_start3A_65 : memref<64x32xf32, #tpu.memory_space<vmem_shared>>) target_semaphore(%run_scoped3A : memref<!tpu.dma_semaphore, #tpu.memory_space<semaphore_mem>>)
      %dma_wait3A = arith.constant 0 : i32
      %dma_wait3A_66 = tpu.memref_slice %arg10[%add3A_20, %dma_wait3A] : memref<10240x32xf32, #tpu.memory_space<vmem_shared>> -> memref<64x32xf32, #tpu.memory_space<vmem_shared>>
      %dma_wait3A_67 = arith.constant 0 : i32
      %dma_wait3A_68 = tpu.memref_slice %arg10[%add3A_20, %dma_wait3A_67] : memref<10240x32xf32, #tpu.memory_space<vmem_shared>> -> memref<64x32xf32, #tpu.memory_space<vmem_shared>>
      tpu.wait_dma2 semaphore(%run_scoped3A : memref<!tpu.dma_semaphore, #tpu.memory_space<semaphore_mem>>) src(%arg9 : memref<64x32xf32, #tpu.memory_space<vmem>>) dst(%dma_wait3A_68 : memref<64x32xf32, #tpu.memory_space<vmem_shared>>)
      tpu.yield
    }) : () -> ()
    %mul3A_21 = arith.constant 640 : i32
    %mul3A_22 = arith.muli %arg1, %mul3A_21 : i32
    %add3A_23 = arith.constant 256 : i32
    %add3A_24 = arith.addi %mul3A_22, %add3A_23 : i32
    "tpu.region"() ({
      %run_scoped3A = tpu.sem_alloc : memref<!tpu.dma_semaphore, #tpu.memory_space<semaphore_mem>>
      %dma_start3A = arith.constant 0 : i32
      %dma_start3A_63 = tpu.memref_slice %arg10[%add3A_24, %dma_start3A] : memref<10240x32xf32, #tpu.memory_space<vmem_shared>> -> memref<64x32xf32, #tpu.memory_space<vmem_shared>>
      %dma_start3A_64 = arith.constant 0 : i32
      %dma_start3A_65 = tpu.memref_slice %arg10[%add3A_24, %dma_start3A_64] : memref<10240x32xf32, #tpu.memory_space<vmem_shared>> -> memref<64x32xf32, #tpu.memory_space<vmem_shared>>
      tpu.enqueue_dma source(%arg9 : memref<64x32xf32, #tpu.memory_space<vmem>>) target(%dma_start3A_65 : memref<64x32xf32, #tpu.memory_space<vmem_shared>>) target_semaphore(%run_scoped3A : memref<!tpu.dma_semaphore, #tpu.memory_space<semaphore_mem>>)
      %dma_wait3A = arith.constant 0 : i32
      %dma_wait3A_66 = tpu.memref_slice %arg10[%add3A_24, %dma_wait3A] : memref<10240x32xf32, #tpu.memory_space<vmem_shared>> -> memref<64x32xf32, #tpu.memory_space<vmem_shared>>
      %dma_wait3A_67 = arith.constant 0 : i32
      %dma_wait3A_68 = tpu.memref_slice %arg10[%add3A_24, %dma_wait3A_67] : memref<10240x32xf32, #tpu.memory_space<vmem_shared>> -> memref<64x32xf32, #tpu.memory_space<vmem_shared>>
      tpu.wait_dma2 semaphore(%run_scoped3A : memref<!tpu.dma_semaphore, #tpu.memory_space<semaphore_mem>>) src(%arg9 : memref<64x32xf32, #tpu.memory_space<vmem>>) dst(%dma_wait3A_68 : memref<64x32xf32, #tpu.memory_space<vmem_shared>>)
      tpu.yield
    }) : () -> ()
    %mul3A_25 = arith.constant 640 : i32
    %mul3A_26 = arith.muli %arg1, %mul3A_25 : i32
    %add3A_27 = arith.constant 320 : i32
    %add3A_28 = arith.addi %mul3A_26, %add3A_27 : i32
    "tpu.region"() ({
      %run_scoped3A = tpu.sem_alloc : memref<!tpu.dma_semaphore, #tpu.memory_space<semaphore_mem>>
      %dma_start3A = arith.constant 0 : i32
      %dma_start3A_63 = tpu.memref_slice %arg10[%add3A_28, %dma_start3A] : memref<10240x32xf32, #tpu.memory_space<vmem_shared>> -> memref<64x32xf32, #tpu.memory_space<vmem_shared>>
      %dma_start3A_64 = arith.constant 0 : i32
      %dma_start3A_65 = tpu.memref_slice %arg10[%add3A_28, %dma_start3A_64] : memref<10240x32xf32, #tpu.memory_space<vmem_shared>> -> memref<64x32xf32, #tpu.memory_space<vmem_shared>>
      tpu.enqueue_dma source(%arg9 : memref<64x32xf32, #tpu.memory_space<vmem>>) target(%dma_start3A_65 : memref<64x32xf32, #tpu.memory_space<vmem_shared>>) target_semaphore(%run_scoped3A : memref<!tpu.dma_semaphore, #tpu.memory_space<semaphore_mem>>)
      %dma_wait3A = arith.constant 0 : i32
      %dma_wait3A_66 = tpu.memref_slice %arg10[%add3A_28, %dma_wait3A] : memref<10240x32xf32, #tpu.memory_space<vmem_shared>> -> memref<64x32xf32, #tpu.memory_space<vmem_shared>>
      %dma_wait3A_67 = arith.constant 0 : i32
      %dma_wait3A_68 = tpu.memref_slice %arg10[%add3A_28, %dma_wait3A_67] : memref<10240x32xf32, #tpu.memory_space<vmem_shared>> -> memref<64x32xf32, #tpu.memory_space<vmem_shared>>
      tpu.wait_dma2 semaphore(%run_scoped3A : memref<!tpu.dma_semaphore, #tpu.memory_space<semaphore_mem>>) src(%arg9 : memref<64x32xf32, #tpu.memory_space<vmem>>) dst(%dma_wait3A_68 : memref<64x32xf32, #tpu.memory_space<vmem_shared>>)
      tpu.yield
    }) : () -> ()
    %mul3A_29 = arith.constant 640 : i32
    %mul3A_30 = arith.muli %arg1, %mul3A_29 : i32
    %add3A_31 = arith.constant 384 : i32
    %add3A_32 = arith.addi %mul3A_30, %add3A_31 : i32
    "tpu.region"() ({
      %run_scoped3A = tpu.sem_alloc : memref<!tpu.dma_semaphore, #tpu.memory_space<semaphore_mem>>
      %dma_start3A = arith.constant 0 : i32
      %dma_start3A_63 = tpu.memref_slice %arg10[%add3A_32, %dma_start3A] : memref<10240x32xf32, #tpu.memory_space<vmem_shared>> -> memref<64x32xf32, #tpu.memory_space<vmem_shared>>
      %dma_start3A_64 = arith.constant 0 : i32
      %dma_start3A_65 = tpu.memref_slice %arg10[%add3A_32, %dma_start3A_64] : memref<10240x32xf32, #tpu.memory_space<vmem_shared>> -> memref<64x32xf32, #tpu.memory_space<vmem_shared>>
      tpu.enqueue_dma source(%arg9 : memref<64x32xf32, #tpu.memory_space<vmem>>) target(%dma_start3A_65 : memref<64x32xf32, #tpu.memory_space<vmem_shared>>) target_semaphore(%run_scoped3A : memref<!tpu.dma_semaphore, #tpu.memory_space<semaphore_mem>>)
      %dma_wait3A = arith.constant 0 : i32
      %dma_wait3A_66 = tpu.memref_slice %arg10[%add3A_32, %dma_wait3A] : memref<10240x32xf32, #tpu.memory_space<vmem_shared>> -> memref<64x32xf32, #tpu.memory_space<vmem_shared>>
      %dma_wait3A_67 = arith.constant 0 : i32
      %dma_wait3A_68 = tpu.memref_slice %arg10[%add3A_32, %dma_wait3A_67] : memref<10240x32xf32, #tpu.memory_space<vmem_shared>> -> memref<64x32xf32, #tpu.memory_space<vmem_shared>>
      tpu.wait_dma2 semaphore(%run_scoped3A : memref<!tpu.dma_semaphore, #tpu.memory_space<semaphore_mem>>) src(%arg9 : memref<64x32xf32, #tpu.memory_space<vmem>>) dst(%dma_wait3A_68 : memref<64x32xf32, #tpu.memory_space<vmem_shared>>)
      tpu.yield
    }) : () -> ()
    %mul3A_33 = arith.constant 640 : i32
    %mul3A_34 = arith.muli %arg1, %mul3A_33 : i32
    %add3A_35 = arith.constant 448 : i32
    %add3A_36 = arith.addi %mul3A_34, %add3A_35 : i32
    "tpu.region"() ({
      %run_scoped3A = tpu.sem_alloc : memref<!tpu.dma_semaphore, #tpu.memory_space<semaphore_mem>>
      %dma_start3A = arith.constant 0 : i32
      %dma_start3A_63 = tpu.memref_slice %arg10[%add3A_36, %dma_start3A] : memref<10240x32xf32, #tpu.memory_space<vmem_shared>> -> memref<64x32xf32, #tpu.memory_space<vmem_shared>>
      %dma_start3A_64 = arith.constant 0 : i32
      %dma_start3A_65 = tpu.memref_slice %arg10[%add3A_36, %dma_start3A_64] : memref<10240x32xf32, #tpu.memory_space<vmem_shared>> -> memref<64x32xf32, #tpu.memory_space<vmem_shared>>
      tpu.enqueue_dma source(%arg9 : memref<64x32xf32, #tpu.memory_space<vmem>>) target(%dma_start3A_65 : memref<64x32xf32, #tpu.memory_space<vmem_shared>>) target_semaphore(%run_scoped3A : memref<!tpu.dma_semaphore, #tpu.memory_space<semaphore_mem>>)
      %dma_wait3A = arith.constant 0 : i32
      %dma_wait3A_66 = tpu.memref_slice %arg10[%add3A_36, %dma_wait3A] : memref<10240x32xf32, #tpu.memory_space<vmem_shared>> -> memref<64x32xf32, #tpu.memory_space<vmem_shared>>
      %dma_wait3A_67 = arith.constant 0 : i32
      %dma_wait3A_68 = tpu.memref_slice %arg10[%add3A_36, %dma_wait3A_67] : memref<10240x32xf32, #tpu.memory_space<vmem_shared>> -> memref<64x32xf32, #tpu.memory_space<vmem_shared>>
      tpu.wait_dma2 semaphore(%run_scoped3A : memref<!tpu.dma_semaphore, #tpu.memory_space<semaphore_mem>>) src(%arg9 : memref<64x32xf32, #tpu.memory_space<vmem>>) dst(%dma_wait3A_68 : memref<64x32xf32, #tpu.memory_space<vmem_shared>>)
      tpu.yield
    }) : () -> ()
    %mul3A_37 = arith.constant 640 : i32
    %mul3A_38 = arith.muli %arg1, %mul3A_37 : i32
    %add3A_39 = arith.constant 512 : i32
    %add3A_40 = arith.addi %mul3A_38, %add3A_39 : i32
    "tpu.region"() ({
      %run_scoped3A = tpu.sem_alloc : memref<!tpu.dma_semaphore, #tpu.memory_space<semaphore_mem>>
      %dma_start3A = arith.constant 0 : i32
      %dma_start3A_63 = tpu.memref_slice %arg10[%add3A_40, %dma_start3A] : memref<10240x32xf32, #tpu.memory_space<vmem_shared>> -> memref<64x32xf32, #tpu.memory_space<vmem_shared>>
      %dma_start3A_64 = arith.constant 0 : i32
      %dma_start3A_65 = tpu.memref_slice %arg10[%add3A_40, %dma_start3A_64] : memref<10240x32xf32, #tpu.memory_space<vmem_shared>> -> memref<64x32xf32, #tpu.memory_space<vmem_shared>>
      tpu.enqueue_dma source(%arg9 : memref<64x32xf32, #tpu.memory_space<vmem>>) target(%dma_start3A_65 : memref<64x32xf32, #tpu.memory_space<vmem_shared>>) target_semaphore(%run_scoped3A : memref<!tpu.dma_semaphore, #tpu.memory_space<semaphore_mem>>)
      %dma_wait3A = arith.constant 0 : i32
      %dma_wait3A_66 = tpu.memref_slice %arg10[%add3A_40, %dma_wait3A] : memref<10240x32xf32, #tpu.memory_space<vmem_shared>> -> memref<64x32xf32, #tpu.memory_space<vmem_shared>>
      %dma_wait3A_67 = arith.constant 0 : i32
      %dma_wait3A_68 = tpu.memref_slice %arg10[%add3A_40, %dma_wait3A_67] : memref<10240x32xf32, #tpu.memory_space<vmem_shared>> -> memref<64x32xf32, #tpu.memory_space<vmem_shared>>
      tpu.wait_dma2 semaphore(%run_scoped3A : memref<!tpu.dma_semaphore, #tpu.memory_space<semaphore_mem>>) src(%arg9 : memref<64x32xf32, #tpu.memory_space<vmem>>) dst(%dma_wait3A_68 : memref<64x32xf32, #tpu.memory_space<vmem_shared>>)
      tpu.yield
    }) : () -> ()
    %mul3A_41 = arith.constant 640 : i32
    %mul3A_42 = arith.muli %arg1, %mul3A_41 : i32
    %add3A_43 = arith.constant 576 : i32
    %add3A_44 = arith.addi %mul3A_42, %add3A_43 : i32
    "tpu.region"() ({
      %run_scoped3A = tpu.sem_alloc : memref<!tpu.dma_semaphore, #tpu.memory_space<semaphore_mem>>
      %dma_start3A = arith.constant 0 : i32
      %dma_start3A_63 = tpu.memref_slice %arg10[%add3A_44, %dma_start3A] : memref<10240x32xf32, #tpu.memory_space<vmem_shared>> -> memref<64x32xf32, #tpu.memory_space<vmem_shared>>
      %dma_start3A_64 = arith.constant 0 : i32
      %dma_start3A_65 = tpu.memref_slice %arg10[%add3A_44, %dma_start3A_64] : memref<10240x32xf32, #tpu.memory_space<vmem_shared>> -> memref<64x32xf32, #tpu.memory_space<vmem_shared>>
      tpu.enqueue_dma source(%arg9 : memref<64x32xf32, #tpu.memory_space<vmem>>) target(%dma_start3A_65 : memref<64x32xf32, #tpu.memory_space<vmem_shared>>) target_semaphore(%run_scoped3A : memref<!tpu.dma_semaphore, #tpu.memory_space<semaphore_mem>>)
      %dma_wait3A = arith.constant 0 : i32
      %dma_wait3A_66 = tpu.memref_slice %arg10[%add3A_44, %dma_wait3A] : memref<10240x32xf32, #tpu.memory_space<vmem_shared>> -> memref<64x32xf32, #tpu.memory_space<vmem_shared>>
      %dma_wait3A_67 = arith.constant 0 : i32
      %dma_wait3A_68 = tpu.memref_slice %arg10[%add3A_44, %dma_wait3A_67] : memref<10240x32xf32, #tpu.memory_space<vmem_shared>> -> memref<64x32xf32, #tpu.memory_space<vmem_shared>>
      tpu.wait_dma2 semaphore(%run_scoped3A : memref<!tpu.dma_semaphore, #tpu.memory_space<semaphore_mem>>) src(%arg9 : memref<64x32xf32, #tpu.memory_space<vmem>>) dst(%dma_wait3A_68 : memref<64x32xf32, #tpu.memory_space<vmem_shared>>)
      tpu.yield
    }) : () -> ()
    %barrier3A = arith.constant 0 : index
    tpu.barrier barrier_id(%barrier3A)
    %mul3A_45 = arith.constant 2000 : i32
    %mul3A_46 = arith.muli %arg0, %mul3A_45 : i32
    %mul3A_47 = arith.constant 125 : i32
    %mul3A_48 = arith.muli %arg1, %mul3A_47 : i32
    %add3A_49 = arith.addi %mul3A_46, %mul3A_48 : i32
    %scan3A_50 = arith.constant 0 : i32
    %scan3A_51 = arith.constant 0 : i32
    %scan3A_52 = arith.constant 125 : i32
    %scan3A_53 = arith.addi %scan3A_51, %scan3A_52 : i32
    %scan3A_54 = arith.constant 1 : i32
    %scan3A_55 = scf.for %scan3A_63 = %scan3A_51 to %scan3A_53 step %scan3A_54 iter_args(%scan3A_64 = %scan3A_50) -> (i32)  : i32 {
      %add3A_65 = arith.addi %add3A_49, %scan3A_63 : i32
      "tpu.region"() ({
        %run_scoped3A = tpu.sem_alloc : memref<!tpu.dma_semaphore, #tpu.memory_space<semaphore_mem>>
        %dma_start3A_72 = arith.constant 0 : i32
        %dma_start3A_73 = tpu.memref_slice %arg3[%add3A_65, %dma_start3A_72] : memref<4000x80xi32, #tpu.memory_space<hbm>> -> memref<1x80xi32, #tpu.memory_space<hbm>>
        %dma_start3A_74 = tpu.memref_squeeze %dma_start3A_73 : memref<1x80xi32, #tpu.memory_space<hbm>> -> memref<80xi32, #tpu.memory_space<hbm>>
        %dma_start3A_75 = arith.constant 0 : i32
        %dma_start3A_76 = tpu.memref_slice %arg3[%add3A_65, %dma_start3A_75] : memref<4000x80xi32, #tpu.memory_space<hbm>> -> memref<1x80xi32, #tpu.memory_space<hbm>>
        %dma_start3A_77 = tpu.memref_squeeze %dma_start3A_76 : memref<1x80xi32, #tpu.memory_space<hbm>> -> memref<80xi32, #tpu.memory_space<hbm>>
        tpu.enqueue_dma source(%dma_start3A_77 : memref<80xi32, #tpu.memory_space<hbm>>) target(%arg6 : memref<80xi32, #tpu.memory_space<vmem>>) target_semaphore(%run_scoped3A : memref<!tpu.dma_semaphore, #tpu.memory_space<semaphore_mem>>)
        %dma_wait3A_78 = arith.constant 0 : i32
        %dma_wait3A_79 = tpu.memref_slice %arg3[%add3A_65, %dma_wait3A_78] : memref<4000x80xi32, #tpu.memory_space<hbm>> -> memref<1x80xi32, #tpu.memory_space<hbm>>
        %dma_wait3A_80 = tpu.memref_squeeze %dma_wait3A_79 : memref<1x80xi32, #tpu.memory_space<hbm>> -> memref<80xi32, #tpu.memory_space<hbm>>
        %dma_wait3A_81 = arith.constant 0 : i32
        %dma_wait3A_82 = tpu.memref_slice %arg3[%add3A_65, %dma_wait3A_81] : memref<4000x80xi32, #tpu.memory_space<hbm>> -> memref<1x80xi32, #tpu.memory_space<hbm>>
        %dma_wait3A_83 = tpu.memref_squeeze %dma_wait3A_82 : memref<1x80xi32, #tpu.memory_space<hbm>> -> memref<80xi32, #tpu.memory_space<hbm>>
        tpu.wait_dma2 semaphore(%run_scoped3A : memref<!tpu.dma_semaphore, #tpu.memory_space<semaphore_mem>>) src(%dma_wait3A_83 : memref<80xi32, #tpu.memory_space<hbm>>) dst(%arg6 : memref<80xi32, #tpu.memory_space<vmem>>)
        tpu.yield
      }) : () -> ()
      %add3A_66 = arith.addi %add3A_49, %scan3A_63 : i32
      "tpu.region"() ({
        %run_scoped3A = tpu.sem_alloc : memref<!tpu.dma_semaphore, #tpu.memory_space<semaphore_mem>>
        %dma_start3A_72 = arith.constant 0 : i32
        %dma_start3A_73 = tpu.memref_slice %arg4[%add3A_66, %dma_start3A_72] : memref<4000x80xi32, #tpu.memory_space<hbm>> -> memref<1x80xi32, #tpu.memory_space<hbm>>
        %dma_start3A_74 = tpu.memref_squeeze %dma_start3A_73 : memref<1x80xi32, #tpu.memory_space<hbm>> -> memref<80xi32, #tpu.memory_space<hbm>>
        %dma_start3A_75 = arith.constant 0 : i32
        %dma_start3A_76 = tpu.memref_slice %arg4[%add3A_66, %dma_start3A_75] : memref<4000x80xi32, #tpu.memory_space<hbm>> -> memref<1x80xi32, #tpu.memory_space<hbm>>
        %dma_start3A_77 = tpu.memref_squeeze %dma_start3A_76 : memref<1x80xi32, #tpu.memory_space<hbm>> -> memref<80xi32, #tpu.memory_space<hbm>>
        tpu.enqueue_dma source(%dma_start3A_77 : memref<80xi32, #tpu.memory_space<hbm>>) target(%arg7 : memref<80xi32, #tpu.memory_space<vmem>>) target_semaphore(%run_scoped3A : memref<!tpu.dma_semaphore, #tpu.memory_space<semaphore_mem>>)
        %dma_wait3A_78 = arith.constant 0 : i32
        %dma_wait3A_79 = tpu.memref_slice %arg4[%add3A_66, %dma_wait3A_78] : memref<4000x80xi32, #tpu.memory_space<hbm>> -> memref<1x80xi32, #tpu.memory_space<hbm>>
        %dma_wait3A_80 = tpu.memref_squeeze %dma_wait3A_79 : memref<1x80xi32, #tpu.memory_space<hbm>> -> memref<80xi32, #tpu.memory_space<hbm>>
        %dma_wait3A_81 = arith.constant 0 : i32
        %dma_wait3A_82 = tpu.memref_slice %arg4[%add3A_66, %dma_wait3A_81] : memref<4000x80xi32, #tpu.memory_space<hbm>> -> memref<1x80xi32, #tpu.memory_space<hbm>>
        %dma_wait3A_83 = tpu.memref_squeeze %dma_wait3A_82 : memref<1x80xi32, #tpu.memory_space<hbm>> -> memref<80xi32, #tpu.memory_space<hbm>>
        tpu.wait_dma2 semaphore(%run_scoped3A : memref<!tpu.dma_semaphore, #tpu.memory_space<semaphore_mem>>) src(%dma_wait3A_83 : memref<80xi32, #tpu.memory_space<hbm>>) dst(%arg7 : memref<80xi32, #tpu.memory_space<vmem>>)
        tpu.yield
      }) : () -> ()
      %dma_start3A = arith.constant 0 : i32
      %dma_start3A_67 = arith.constant 0 : i32
      %dma_start3A_68 = tpu.memref_slice %arg2[%dma_start3A, %dma_start3A_67] : memref<10000x32xf32, #tpu.memory_space<hbm>> -> memref<10000x32xf32, #tpu.memory_space<hbm>>
      tpu.enqueue_indirect_dma source(%dma_start3A_68 : memref<10000x32xf32, #tpu.memory_space<hbm>>) target(%arg8 : memref<80x32xf32, #tpu.memory_space<vmem>>) offsets(%arg6 : memref<80xi32, #tpu.memory_space<vmem>>) semaphore(%arg11 : memref<!tpu.dma_semaphore, #tpu.memory_space<semaphore_mem>>)
      %dma_wait3A = arith.constant 0 : i32
      %dma_wait3A_69 = arith.constant 0 : i32
      %dma_wait3A_70 = tpu.memref_slice %arg2[%dma_wait3A, %dma_wait3A_69] : memref<10000x32xf32, #tpu.memory_space<hbm>> -> memref<10000x32xf32, #tpu.memory_space<hbm>>
      tpu.wait_indirect_dma semaphore(%arg11 : memref<!tpu.dma_semaphore, #tpu.memory_space<semaphore_mem>>) src(%dma_wait3A_70 : memref<10000x32xf32, #tpu.memory_space<hbm>>) dst(%arg8 : memref<80x32xf32, #tpu.memory_space<vmem>>)
      "tpu.region"() ({
        %run_scoped3A = tpu.sem_alloc : memref<!tpu.dma_semaphore, #tpu.memory_space<semaphore_mem>>
        %dma_start3A_72 = arith.constant 0 : i32
        %dma_start3A_73 = arith.constant 0 : i32
        %dma_start3A_74 = tpu.memref_slice %arg10[%dma_start3A_72, %dma_start3A_73] : memref<10240x32xf32, #tpu.memory_space<vmem_shared>> -> memref<10240x32xf32, #tpu.memory_space<vmem_shared>>
        tpu.enqueue_indirect_dma source(%arg8 : memref<80x32xf32, #tpu.memory_space<vmem>>) target(%dma_start3A_74 : memref<10240x32xf32, #tpu.memory_space<vmem_shared>>) offsets(%arg7 : memref<80xi32, #tpu.memory_space<vmem>>) semaphore(%run_scoped3A : memref<!tpu.dma_semaphore, #tpu.memory_space<semaphore_mem>>) {add = true}
        %dma_wait3A_75 = arith.constant 0 : i32
        %dma_wait3A_76 = arith.constant 0 : i32
        %dma_wait3A_77 = tpu.memref_slice %arg10[%dma_wait3A_75, %dma_wait3A_76] : memref<10240x32xf32, #tpu.memory_space<vmem_shared>> -> memref<10240x32xf32, #tpu.memory_space<vmem_shared>>
        tpu.wait_indirect_dma semaphore(%run_scoped3A : memref<!tpu.dma_semaphore, #tpu.memory_space<semaphore_mem>>) src(%arg8 : memref<80x32xf32, #tpu.memory_space<vmem>>) dst(%dma_wait3A_77 : memref<10240x32xf32, #tpu.memory_space<vmem_shared>>)
        tpu.yield
      }) : () -> ()
      %scan3A_71 = arith.constant 0 : i32
      scf.yield %scan3A_71 : i32
    }
    %scan3A_56 = arith.constant 125 : i32
    %barrier3A_57 = arith.constant 0 : index
    tpu.barrier barrier_id(%barrier3A_57)
    %mul3A_58 = arith.constant 640 : i32
    %mul3A_59 = arith.muli %arg1, %mul3A_58 : i32
    %mul3A_60 = arith.constant 10240 : i32
    %mul3A_61 = arith.muli %arg0, %mul3A_60 : i32
    %add3A_62 = arith.addi %mul3A_61, %mul3A_59 : i32
    "tpu.region"() ({
      %run_scoped3A = tpu.sem_alloc : memref<!tpu.dma_semaphore, #tpu.memory_space<semaphore_mem>>
      %dma_start3A = arith.constant 0 : i32
      %dma_start3A_63 = tpu.memref_slice %arg5[%add3A_62, %dma_start3A] : memref<20480x32xf32, #tpu.memory_space<hbm>> -> memref<640x32xf32, #tpu.memory_space<hbm>>
      %dma_start3A_64 = arith.constant 0 : i32
      %dma_start3A_65 = tpu.memref_slice %arg10[%mul3A_59, %dma_start3A_64] : memref<10240x32xf32, #tpu.memory_space<vmem_shared>> -> memref<640x32xf32, #tpu.memory_space<vmem_shared>>
      tpu.enqueue_dma source(%dma_start3A_65 : memref<640x32xf32, #tpu.memory_space<vmem_shared>>) target(%dma_start3A_63 : memref<640x32xf32, #tpu.memory_space<hbm>>) target_semaphore(%run_scoped3A : memref<!tpu.dma_semaphore, #tpu.memory_space<semaphore_mem>>)
      %dma_wait3A = arith.constant 0 : i32
      %dma_wait3A_66 = tpu.memref_slice %arg5[%add3A_62, %dma_wait3A] : memref<20480x32xf32, #tpu.memory_space<hbm>> -> memref<640x32xf32, #tpu.memory_space<hbm>>
      %dma_wait3A_67 = arith.constant 0 : i32
      %dma_wait3A_68 = tpu.memref_slice %arg10[%mul3A_59, %dma_wait3A_67] : memref<10240x32xf32, #tpu.memory_space<vmem_shared>> -> memref<640x32xf32, #tpu.memory_space<vmem_shared>>
      tpu.wait_dma2 semaphore(%run_scoped3A : memref<!tpu.dma_semaphore, #tpu.memory_space<semaphore_mem>>) src(%dma_wait3A_68 : memref<640x32xf32, #tpu.memory_space<vmem_shared>>) dst(%dma_wait3A_66 : memref<640x32xf32, #tpu.memory_space<hbm>>)
      tpu.yield
    }) : () -> ()
    return
  }
}

module attributes {stable_mosaic.version = 14 : i64} {
  func.func @_layer0_body(%arg0: memref<10000x128xf32, #tpu.memory_space<vmem>>, %arg1: memref<20480x64xf32, #tpu.memory_space<vmem>>, %arg2: memref<128x32xf32, #tpu.memory_space<vmem>>, %arg3: memref<1x32xf32, #tpu.memory_space<vmem>>, %arg4: memref<32x32xf32, #tpu.memory_space<vmem>>, %arg5: memref<1x32xf32, #tpu.memory_space<vmem>>, %arg6: memref<10000x32xf32, #tpu.memory_space<vmem>>) attributes {dimension_semantics = [], scalar_prefetch = 0 : i64, scratch_operands = 0 : i64, tpu.core_type = #tpu.core_type<tc>} {
    %get3A = arith.constant 0 : index
    %get3A_0 = arith.constant 0 : index
    %get3A_1 = vector.load %arg1[%get3A, %get3A_0] : memref<20480x64xf32, #tpu.memory_space<vmem>>, vector<10000x64xf32>
    %get3A_2 = arith.constant 10240 : index
    %get3A_3 = arith.constant 0 : index
    %get3A_4 = vector.load %arg1[%get3A_2, %get3A_3] : memref<20480x64xf32, #tpu.memory_space<vmem>>, vector<10000x64xf32>
    %concatenate3A = tpu.concatenate %get3A_1, %get3A_4 in 1 : vector<10000x64xf32>, vector<10000x64xf32> -> vector<10000x128xf32>
    %get3A_5 = arith.constant 0 : index
    %get3A_6 = arith.constant 0 : index
    %get3A_7 = vector.load %arg0[%get3A_5, %get3A_6] : memref<10000x128xf32, #tpu.memory_space<vmem>>, vector<10000x128xf32>
    %add3A = arith.addf %get3A_7, %concatenate3A : vector<10000x128xf32>
    %get3A_8 = arith.constant 0 : index
    %get3A_9 = arith.constant 0 : index
    %get3A_10 = vector.load %arg2[%get3A_8, %get3A_9] : memref<128x32xf32, #tpu.memory_space<vmem>>, vector<128x32xf32>
    %dot_general3A = arith.constant dense<0.000000e+00> : vector<10000x32xf32>
    %dot_general3A_11 = tpu.matmul %add3A, %get3A_10, %dot_general3A {dimension_numbers = #tpu.dot_dimension_numbers<[1], [0], [0], [1], [0, 0, 1, 1], [], []>, transpose_lhs_hint = false} : vector<10000x128xf32>, vector<128x32xf32>, vector<10000x32xf32> -> vector<10000x32xf32>
    %get3A_12 = arith.constant 0 : index
    %get3A_13 = arith.constant 0 : index
    %get3A_14 = vector.load %arg3[%get3A_12, %get3A_13] : memref<1x32xf32, #tpu.memory_space<vmem>>, vector<1x32xf32>
    %add3A_15 = vector.broadcast %get3A_14 : vector<1x32xf32> to vector<10000x32xf32>
    %add3A_16 = arith.addf %dot_general3A_11, %add3A_15 : vector<10000x32xf32>
    %max3A = arith.constant 0.000000e+00 : f32
    %max3A_17 = vector.broadcast %max3A : f32 to vector<10000x32xf32>
    %max3A_18 = arith.maximumf %add3A_16, %max3A_17 : vector<10000x32xf32>
    %get3A_19 = arith.constant 0 : index
    %get3A_20 = arith.constant 0 : index
    %get3A_21 = vector.load %arg4[%get3A_19, %get3A_20] : memref<32x32xf32, #tpu.memory_space<vmem>>, vector<32x32xf32>
    %dot_general3A_22 = arith.constant dense<0.000000e+00> : vector<10000x32xf32>
    %dot_general3A_23 = tpu.matmul %max3A_18, %get3A_21, %dot_general3A_22 {dimension_numbers = #tpu.dot_dimension_numbers<[1], [0], [0], [1], [0, 0, 1, 1], [], []>, transpose_lhs_hint = false} : vector<10000x32xf32>, vector<32x32xf32>, vector<10000x32xf32> -> vector<10000x32xf32>
    %get3A_24 = arith.constant 0 : index
    %get3A_25 = arith.constant 0 : index
    %get3A_26 = vector.load %arg5[%get3A_24, %get3A_25] : memref<1x32xf32, #tpu.memory_space<vmem>>, vector<1x32xf32>
    %add3A_27 = vector.broadcast %get3A_26 : vector<1x32xf32> to vector<10000x32xf32>
    %add3A_28 = arith.addf %dot_general3A_23, %add3A_27 : vector<10000x32xf32>
    %max3A_29 = arith.constant 0.000000e+00 : f32
    %max3A_30 = vector.broadcast %max3A_29 : f32 to vector<10000x32xf32>
    %max3A_31 = arith.maximumf %add3A_28, %max3A_30 : vector<10000x32xf32>
    %swap3A = arith.constant 0 : index
    %swap3A_32 = arith.constant 0 : index
    %swap3A_33 = vector.load %arg6[%swap3A, %swap3A_32] : memref<10000x32xf32, #tpu.memory_space<vmem>>, vector<10000x32xf32>
    tpu.vector_store %arg6[%swap3A, %swap3A_32], %max3A_31 {strides = array<i32>} : memref<10000x32xf32, #tpu.memory_space<vmem>>, vector<10000x32xf32>,
    return
  }
}

module attributes {stable_mosaic.version = 14 : i64} {
  func.func @_layer_body(%arg0: memref<10000x32xf32, #tpu.memory_space<vmem>>, %arg1: memref<20480x32xf32, #tpu.memory_space<vmem>>, %arg2: memref<32x32xf32, #tpu.memory_space<vmem>>, %arg3: memref<1x32xf32, #tpu.memory_space<vmem>>, %arg4: memref<32x32xf32, #tpu.memory_space<vmem>>, %arg5: memref<1x32xf32, #tpu.memory_space<vmem>>, %arg6: memref<10000x32xf32, #tpu.memory_space<vmem>>) attributes {dimension_semantics = [], scalar_prefetch = 0 : i64, scratch_operands = 0 : i64, tpu.core_type = #tpu.core_type<tc>} {
    %get3A = arith.constant 0 : index
    %get3A_0 = arith.constant 0 : index
    %get3A_1 = vector.load %arg1[%get3A, %get3A_0] : memref<20480x32xf32, #tpu.memory_space<vmem>>, vector<10000x32xf32>
    %get3A_2 = arith.constant 10240 : index
    %get3A_3 = arith.constant 0 : index
    %get3A_4 = vector.load %arg1[%get3A_2, %get3A_3] : memref<20480x32xf32, #tpu.memory_space<vmem>>, vector<10000x32xf32>
    %add3A = arith.addf %get3A_1, %get3A_4 : vector<10000x32xf32>
    %get3A_5 = arith.constant 0 : index
    %get3A_6 = arith.constant 0 : index
    %get3A_7 = vector.load %arg0[%get3A_5, %get3A_6] : memref<10000x32xf32, #tpu.memory_space<vmem>>, vector<10000x32xf32>
    %add3A_8 = arith.addf %get3A_7, %add3A : vector<10000x32xf32>
    %get3A_9 = arith.constant 0 : index
    %get3A_10 = arith.constant 0 : index
    %get3A_11 = vector.load %arg2[%get3A_9, %get3A_10] : memref<32x32xf32, #tpu.memory_space<vmem>>, vector<32x32xf32>
    %dot_general3A = arith.constant dense<0.000000e+00> : vector<10000x32xf32>
    %dot_general3A_12 = tpu.matmul %add3A_8, %get3A_11, %dot_general3A {dimension_numbers = #tpu.dot_dimension_numbers<[1], [0], [0], [1], [0, 0, 1, 1], [], []>, transpose_lhs_hint = false} : vector<10000x32xf32>, vector<32x32xf32>, vector<10000x32xf32> -> vector<10000x32xf32>
    %get3A_13 = arith.constant 0 : index
    %get3A_14 = arith.constant 0 : index
    %get3A_15 = vector.load %arg3[%get3A_13, %get3A_14] : memref<1x32xf32, #tpu.memory_space<vmem>>, vector<1x32xf32>
    %add3A_16 = vector.broadcast %get3A_15 : vector<1x32xf32> to vector<10000x32xf32>
    %add3A_17 = arith.addf %dot_general3A_12, %add3A_16 : vector<10000x32xf32>
    %max3A = arith.constant 0.000000e+00 : f32
    %max3A_18 = vector.broadcast %max3A : f32 to vector<10000x32xf32>
    %max3A_19 = arith.maximumf %add3A_17, %max3A_18 : vector<10000x32xf32>
    %get3A_20 = arith.constant 0 : index
    %get3A_21 = arith.constant 0 : index
    %get3A_22 = vector.load %arg4[%get3A_20, %get3A_21] : memref<32x32xf32, #tpu.memory_space<vmem>>, vector<32x32xf32>
    %dot_general3A_23 = arith.constant dense<0.000000e+00> : vector<10000x32xf32>
    %dot_general3A_24 = tpu.matmul %max3A_19, %get3A_22, %dot_general3A_23 {dimension_numbers = #tpu.dot_dimension_numbers<[1], [0], [0], [1], [0, 0, 1, 1], [], []>, transpose_lhs_hint = false} : vector<10000x32xf32>, vector<32x32xf32>, vector<10000x32xf32> -> vector<10000x32xf32>
    %get3A_25 = arith.constant 0 : index
    %get3A_26 = arith.constant 0 : index
    %get3A_27 = vector.load %arg5[%get3A_25, %get3A_26] : memref<1x32xf32, #tpu.memory_space<vmem>>, vector<1x32xf32>
    %add3A_28 = vector.broadcast %get3A_27 : vector<1x32xf32> to vector<10000x32xf32>
    %add3A_29 = arith.addf %dot_general3A_24, %add3A_28 : vector<10000x32xf32>
    %max3A_30 = arith.constant 0.000000e+00 : f32
    %max3A_31 = vector.broadcast %max3A_30 : f32 to vector<10000x32xf32>
    %max3A_32 = arith.maximumf %add3A_29, %max3A_31 : vector<10000x32xf32>
    %swap3A = arith.constant 0 : index
    %swap3A_33 = arith.constant 0 : index
    %swap3A_34 = vector.load %arg6[%swap3A, %swap3A_33] : memref<10000x32xf32, #tpu.memory_space<vmem>>, vector<10000x32xf32>
    tpu.vector_store %arg6[%swap3A, %swap3A_33], %max3A_32 {strides = array<i32>} : memref<10000x32xf32, #tpu.memory_space<vmem>>, vector<10000x32xf32>,
    return
  }
}

module attributes {stable_mosaic.version = 14 : i64} {
  func.func @_final_body(%arg0: memref<10000x32xf32, #tpu.memory_space<vmem>>, %arg1: memref<16x32x32xf32, #tpu.memory_space<vmem>>, %arg2: memref<1x10000xi32, #tpu.memory_space<vmem>>, %arg3: memref<32x32xf32, #tpu.memory_space<vmem>>, %arg4: memref<1x32xf32, #tpu.memory_space<vmem>>, %arg5: memref<32x16xf32, #tpu.memory_space<vmem>>, %arg6: memref<1x16xf32, #tpu.memory_space<vmem>>, %arg7: memref<16x2xf32, #tpu.memory_space<vmem>>, %arg8: memref<1x2xf32, #tpu.memory_space<vmem>>, %arg9: memref<64x2xf32, #tpu.memory_space<vmem>>) attributes {dimension_semantics = [], scalar_prefetch = 0 : i64, scratch_operands = 0 : i64, tpu.core_type = #tpu.core_type<tc>} {
    %get3A = arith.constant 0 : index
    %get3A_0 = arith.constant 0 : index
    %get3A_1 = vector.load %arg0[%get3A, %get3A_0] : memref<10000x32xf32, #tpu.memory_space<vmem>>, vector<10000x32xf32>
    %get3A_2 = arith.constant 0 : index
    %get3A_3 = arith.constant 0 : index
    %get3A_4 = arith.constant 0 : index
    %get3A_5 = vector.load %arg1[%get3A_2, %get3A_3, %get3A_4] : memref<16x32x32xf32, #tpu.memory_space<vmem>>, vector<1x32x32xf32>
    %get3A_6 = vector.shape_cast %get3A_5 : vector<1x32x32xf32> to vector<32x32xf32>
    %dot_general3A = arith.constant dense<0.000000e+00> : vector<10000x32xf32>
    %dot_general3A_7 = tpu.matmul %get3A_1, %get3A_6, %dot_general3A {dimension_numbers = #tpu.dot_dimension_numbers<[1], [0], [0], [1], [0, 0, 1, 1], [], []>, transpose_lhs_hint = false} : vector<10000x32xf32>, vector<32x32xf32>, vector<10000x32xf32> -> vector<10000x32xf32>
    %max3A = arith.constant 0.000000e+00 : f32
    %max3A_8 = vector.broadcast %max3A : f32 to vector<10000x32xf32>
    %max3A_9 = arith.maximumf %dot_general3A_7, %max3A_8 : vector<10000x32xf32>
    %get3A_10 = arith.constant 1 : index
    %get3A_11 = arith.constant 0 : index
    %get3A_12 = arith.constant 0 : index
    %get3A_13 = vector.load %arg1[%get3A_10, %get3A_11, %get3A_12] : memref<16x32x32xf32, #tpu.memory_space<vmem>>, vector<1x32x32xf32>
    %get3A_14 = vector.shape_cast %get3A_13 : vector<1x32x32xf32> to vector<32x32xf32>
    %dot_general3A_15 = arith.constant dense<0.000000e+00> : vector<10000x32xf32>
    %dot_general3A_16 = tpu.matmul %get3A_1, %get3A_14, %dot_general3A_15 {dimension_numbers = #tpu.dot_dimension_numbers<[1], [0], [0], [1], [0, 0, 1, 1], [], []>, transpose_lhs_hint = false} : vector<10000x32xf32>, vector<32x32xf32>, vector<10000x32xf32> -> vector<10000x32xf32>
    %max3A_17 = arith.constant 0.000000e+00 : f32
    %max3A_18 = vector.broadcast %max3A_17 : f32 to vector<10000x32xf32>
    %max3A_19 = arith.maximumf %dot_general3A_16, %max3A_18 : vector<10000x32xf32>
    %max3A_20 = arith.maximumf %max3A_9, %max3A_19 : vector<10000x32xf32>
    %get3A_21 = arith.constant 2 : index
    %get3A_22 = arith.constant 0 : index
    %get3A_23 = arith.constant 0 : index
    %get3A_24 = vector.load %arg1[%get3A_21, %get3A_22, %get3A_23] : memref<16x32x32xf32, #tpu.memory_space<vmem>>, vector<1x32x32xf32>
    %get3A_25 = vector.shape_cast %get3A_24 : vector<1x32x32xf32> to vector<32x32xf32>
    %dot_general3A_26 = arith.constant dense<0.000000e+00> : vector<10000x32xf32>
    %dot_general3A_27 = tpu.matmul %get3A_1, %get3A_25, %dot_general3A_26 {dimension_numbers = #tpu.dot_dimension_numbers<[1], [0], [0], [1], [0, 0, 1, 1], [], []>, transpose_lhs_hint = false} : vector<10000x32xf32>, vector<32x32xf32>, vector<10000x32xf32> -> vector<10000x32xf32>
    %max3A_28 = arith.constant 0.000000e+00 : f32
    %max3A_29 = vector.broadcast %max3A_28 : f32 to vector<10000x32xf32>
    %max3A_30 = arith.maximumf %dot_general3A_27, %max3A_29 : vector<10000x32xf32>
    %max3A_31 = arith.maximumf %max3A_20, %max3A_30 : vector<10000x32xf32>
    %get3A_32 = arith.constant 3 : index
    %get3A_33 = arith.constant 0 : index
    %get3A_34 = arith.constant 0 : index
    %get3A_35 = vector.load %arg1[%get3A_32, %get3A_33, %get3A_34] : memref<16x32x32xf32, #tpu.memory_space<vmem>>, vector<1x32x32xf32>
    %get3A_36 = vector.shape_cast %get3A_35 : vector<1x32x32xf32> to vector<32x32xf32>
    %dot_general3A_37 = arith.constant dense<0.000000e+00> : vector<10000x32xf32>
    %dot_general3A_38 = tpu.matmul %get3A_1, %get3A_36, %dot_general3A_37 {dimension_numbers = #tpu.dot_dimension_numbers<[1], [0], [0], [1], [0, 0, 1, 1], [], []>, transpose_lhs_hint = false} : vector<10000x32xf32>, vector<32x32xf32>, vector<10000x32xf32> -> vector<10000x32xf32>
    %max3A_39 = arith.constant 0.000000e+00 : f32
    %max3A_40 = vector.broadcast %max3A_39 : f32 to vector<10000x32xf32>
    %max3A_41 = arith.maximumf %dot_general3A_38, %max3A_40 : vector<10000x32xf32>
    %max3A_42 = arith.maximumf %max3A_31, %max3A_41 : vector<10000x32xf32>
    %get3A_43 = arith.constant 4 : index
    %get3A_44 = arith.constant 0 : index
    %get3A_45 = arith.constant 0 : index
    %get3A_46 = vector.load %arg1[%get3A_43, %get3A_44, %get3A_45] : memref<16x32x32xf32, #tpu.memory_space<vmem>>, vector<1x32x32xf32>
    %get3A_47 = vector.shape_cast %get3A_46 : vector<1x32x32xf32> to vector<32x32xf32>
    %dot_general3A_48 = arith.constant dense<0.000000e+00> : vector<10000x32xf32>
    %dot_general3A_49 = tpu.matmul %get3A_1, %get3A_47, %dot_general3A_48 {dimension_numbers = #tpu.dot_dimension_numbers<[1], [0], [0], [1], [0, 0, 1, 1], [], []>, transpose_lhs_hint = false} : vector<10000x32xf32>, vector<32x32xf32>, vector<10000x32xf32> -> vector<10000x32xf32>
    %max3A_50 = arith.constant 0.000000e+00 : f32
    %max3A_51 = vector.broadcast %max3A_50 : f32 to vector<10000x32xf32>
    %max3A_52 = arith.maximumf %dot_general3A_49, %max3A_51 : vector<10000x32xf32>
    %max3A_53 = arith.maximumf %max3A_42, %max3A_52 : vector<10000x32xf32>
    %get3A_54 = arith.constant 5 : index
    %get3A_55 = arith.constant 0 : index
    %get3A_56 = arith.constant 0 : index
    %get3A_57 = vector.load %arg1[%get3A_54, %get3A_55, %get3A_56] : memref<16x32x32xf32, #tpu.memory_space<vmem>>, vector<1x32x32xf32>
    %get3A_58 = vector.shape_cast %get3A_57 : vector<1x32x32xf32> to vector<32x32xf32>
    %dot_general3A_59 = arith.constant dense<0.000000e+00> : vector<10000x32xf32>
    %dot_general3A_60 = tpu.matmul %get3A_1, %get3A_58, %dot_general3A_59 {dimension_numbers = #tpu.dot_dimension_numbers<[1], [0], [0], [1], [0, 0, 1, 1], [], []>, transpose_lhs_hint = false} : vector<10000x32xf32>, vector<32x32xf32>, vector<10000x32xf32> -> vector<10000x32xf32>
    %max3A_61 = arith.constant 0.000000e+00 : f32
    %max3A_62 = vector.broadcast %max3A_61 : f32 to vector<10000x32xf32>
    %max3A_63 = arith.maximumf %dot_general3A_60, %max3A_62 : vector<10000x32xf32>
    %max3A_64 = arith.maximumf %max3A_53, %max3A_63 : vector<10000x32xf32>
    %get3A_65 = arith.constant 6 : index
    %get3A_66 = arith.constant 0 : index
    %get3A_67 = arith.constant 0 : index
    %get3A_68 = vector.load %arg1[%get3A_65, %get3A_66, %get3A_67] : memref<16x32x32xf32, #tpu.memory_space<vmem>>, vector<1x32x32xf32>
    %get3A_69 = vector.shape_cast %get3A_68 : vector<1x32x32xf32> to vector<32x32xf32>
    %dot_general3A_70 = arith.constant dense<0.000000e+00> : vector<10000x32xf32>
    %dot_general3A_71 = tpu.matmul %get3A_1, %get3A_69, %dot_general3A_70 {dimension_numbers = #tpu.dot_dimension_numbers<[1], [0], [0], [1], [0, 0, 1, 1], [], []>, transpose_lhs_hint = false} : vector<10000x32xf32>, vector<32x32xf32>, vector<10000x32xf32> -> vector<10000x32xf32>
    %max3A_72 = arith.constant 0.000000e+00 : f32
    %max3A_73 = vector.broadcast %max3A_72 : f32 to vector<10000x32xf32>
    %max3A_74 = arith.maximumf %dot_general3A_71, %max3A_73 : vector<10000x32xf32>
    %max3A_75 = arith.maximumf %max3A_64, %max3A_74 : vector<10000x32xf32>
    %get3A_76 = arith.constant 7 : index
    %get3A_77 = arith.constant 0 : index
    %get3A_78 = arith.constant 0 : index
    %get3A_79 = vector.load %arg1[%get3A_76, %get3A_77, %get3A_78] : memref<16x32x32xf32, #tpu.memory_space<vmem>>, vector<1x32x32xf32>
    %get3A_80 = vector.shape_cast %get3A_79 : vector<1x32x32xf32> to vector<32x32xf32>
    %dot_general3A_81 = arith.constant dense<0.000000e+00> : vector<10000x32xf32>
    %dot_general3A_82 = tpu.matmul %get3A_1, %get3A_80, %dot_general3A_81 {dimension_numbers = #tpu.dot_dimension_numbers<[1], [0], [0], [1], [0, 0, 1, 1], [], []>, transpose_lhs_hint = false} : vector<10000x32xf32>, vector<32x32xf32>, vector<10000x32xf32> -> vector<10000x32xf32>
    %max3A_83 = arith.constant 0.000000e+00 : f32
    %max3A_84 = vector.broadcast %max3A_83 : f32 to vector<10000x32xf32>
    %max3A_85 = arith.maximumf %dot_general3A_82, %max3A_84 : vector<10000x32xf32>
    %max3A_86 = arith.maximumf %max3A_75, %max3A_85 : vector<10000x32xf32>
    %get3A_87 = arith.constant 8 : index
    %get3A_88 = arith.constant 0 : index
    %get3A_89 = arith.constant 0 : index
    %get3A_90 = vector.load %arg1[%get3A_87, %get3A_88, %get3A_89] : memref<16x32x32xf32, #tpu.memory_space<vmem>>, vector<1x32x32xf32>
    %get3A_91 = vector.shape_cast %get3A_90 : vector<1x32x32xf32> to vector<32x32xf32>
    %dot_general3A_92 = arith.constant dense<0.000000e+00> : vector<10000x32xf32>
    %dot_general3A_93 = tpu.matmul %get3A_1, %get3A_91, %dot_general3A_92 {dimension_numbers = #tpu.dot_dimension_numbers<[1], [0], [0], [1], [0, 0, 1, 1], [], []>, transpose_lhs_hint = false} : vector<10000x32xf32>, vector<32x32xf32>, vector<10000x32xf32> -> vector<10000x32xf32>
    %max3A_94 = arith.constant 0.000000e+00 : f32
    %max3A_95 = vector.broadcast %max3A_94 : f32 to vector<10000x32xf32>
    %max3A_96 = arith.maximumf %dot_general3A_93, %max3A_95 : vector<10000x32xf32>
    %max3A_97 = arith.maximumf %max3A_86, %max3A_96 : vector<10000x32xf32>
    %get3A_98 = arith.constant 9 : index
    %get3A_99 = arith.constant 0 : index
    %get3A_100 = arith.constant 0 : index
    %get3A_101 = vector.load %arg1[%get3A_98, %get3A_99, %get3A_100] : memref<16x32x32xf32, #tpu.memory_space<vmem>>, vector<1x32x32xf32>
    %get3A_102 = vector.shape_cast %get3A_101 : vector<1x32x32xf32> to vector<32x32xf32>
    %dot_general3A_103 = arith.constant dense<0.000000e+00> : vector<10000x32xf32>
    %dot_general3A_104 = tpu.matmul %get3A_1, %get3A_102, %dot_general3A_103 {dimension_numbers = #tpu.dot_dimension_numbers<[1], [0], [0], [1], [0, 0, 1, 1], [], []>, transpose_lhs_hint = false} : vector<10000x32xf32>, vector<32x32xf32>, vector<10000x32xf32> -> vector<10000x32xf32>
    %max3A_105 = arith.constant 0.000000e+00 : f32
    %max3A_106 = vector.broadcast %max3A_105 : f32 to vector<10000x32xf32>
    %max3A_107 = arith.maximumf %dot_general3A_104, %max3A_106 : vector<10000x32xf32>
    %max3A_108 = arith.maximumf %max3A_97, %max3A_107 : vector<10000x32xf32>
    %get3A_109 = arith.constant 10 : index
    %get3A_110 = arith.constant 0 : index
    %get3A_111 = arith.constant 0 : index
    %get3A_112 = vector.load %arg1[%get3A_109, %get3A_110, %get3A_111] : memref<16x32x32xf32, #tpu.memory_space<vmem>>, vector<1x32x32xf32>
    %get3A_113 = vector.shape_cast %get3A_112 : vector<1x32x32xf32> to vector<32x32xf32>
    %dot_general3A_114 = arith.constant dense<0.000000e+00> : vector<10000x32xf32>
    %dot_general3A_115 = tpu.matmul %get3A_1, %get3A_113, %dot_general3A_114 {dimension_numbers = #tpu.dot_dimension_numbers<[1], [0], [0], [1], [0, 0, 1, 1], [], []>, transpose_lhs_hint = false} : vector<10000x32xf32>, vector<32x32xf32>, vector<10000x32xf32> -> vector<10000x32xf32>
    %max3A_116 = arith.constant 0.000000e+00 : f32
    %max3A_117 = vector.broadcast %max3A_116 : f32 to vector<10000x32xf32>
    %max3A_118 = arith.maximumf %dot_general3A_115, %max3A_117 : vector<10000x32xf32>
    %max3A_119 = arith.maximumf %max3A_108, %max3A_118 : vector<10000x32xf32>
    %get3A_120 = arith.constant 11 : index
    %get3A_121 = arith.constant 0 : index
    %get3A_122 = arith.constant 0 : index
    %get3A_123 = vector.load %arg1[%get3A_120, %get3A_121, %get3A_122] : memref<16x32x32xf32, #tpu.memory_space<vmem>>, vector<1x32x32xf32>
    %get3A_124 = vector.shape_cast %get3A_123 : vector<1x32x32xf32> to vector<32x32xf32>
    %dot_general3A_125 = arith.constant dense<0.000000e+00> : vector<10000x32xf32>
    %dot_general3A_126 = tpu.matmul %get3A_1, %get3A_124, %dot_general3A_125 {dimension_numbers = #tpu.dot_dimension_numbers<[1], [0], [0], [1], [0, 0, 1, 1], [], []>, transpose_lhs_hint = false} : vector<10000x32xf32>, vector<32x32xf32>, vector<10000x32xf32> -> vector<10000x32xf32>
    %max3A_127 = arith.constant 0.000000e+00 : f32
    %max3A_128 = vector.broadcast %max3A_127 : f32 to vector<10000x32xf32>
    %max3A_129 = arith.maximumf %dot_general3A_126, %max3A_128 : vector<10000x32xf32>
    %max3A_130 = arith.maximumf %max3A_119, %max3A_129 : vector<10000x32xf32>
    %get3A_131 = arith.constant 12 : index
    %get3A_132 = arith.constant 0 : index
    %get3A_133 = arith.constant 0 : index
    %get3A_134 = vector.load %arg1[%get3A_131, %get3A_132, %get3A_133] : memref<16x32x32xf32, #tpu.memory_space<vmem>>, vector<1x32x32xf32>
    %get3A_135 = vector.shape_cast %get3A_134 : vector<1x32x32xf32> to vector<32x32xf32>
    %dot_general3A_136 = arith.constant dense<0.000000e+00> : vector<10000x32xf32>
    %dot_general3A_137 = tpu.matmul %get3A_1, %get3A_135, %dot_general3A_136 {dimension_numbers = #tpu.dot_dimension_numbers<[1], [0], [0], [1], [0, 0, 1, 1], [], []>, transpose_lhs_hint = false} : vector<10000x32xf32>, vector<32x32xf32>, vector<10000x32xf32> -> vector<10000x32xf32>
    %max3A_138 = arith.constant 0.000000e+00 : f32
    %max3A_139 = vector.broadcast %max3A_138 : f32 to vector<10000x32xf32>
    %max3A_140 = arith.maximumf %dot_general3A_137, %max3A_139 : vector<10000x32xf32>
    %max3A_141 = arith.maximumf %max3A_130, %max3A_140 : vector<10000x32xf32>
    %get3A_142 = arith.constant 13 : index
    %get3A_143 = arith.constant 0 : index
    %get3A_144 = arith.constant 0 : index
    %get3A_145 = vector.load %arg1[%get3A_142, %get3A_143, %get3A_144] : memref<16x32x32xf32, #tpu.memory_space<vmem>>, vector<1x32x32xf32>
    %get3A_146 = vector.shape_cast %get3A_145 : vector<1x32x32xf32> to vector<32x32xf32>
    %dot_general3A_147 = arith.constant dense<0.000000e+00> : vector<10000x32xf32>
    %dot_general3A_148 = tpu.matmul %get3A_1, %get3A_146, %dot_general3A_147 {dimension_numbers = #tpu.dot_dimension_numbers<[1], [0], [0], [1], [0, 0, 1, 1], [], []>, transpose_lhs_hint = false} : vector<10000x32xf32>, vector<32x32xf32>, vector<10000x32xf32> -> vector<10000x32xf32>
    %max3A_149 = arith.constant 0.000000e+00 : f32
    %max3A_150 = vector.broadcast %max3A_149 : f32 to vector<10000x32xf32>
    %max3A_151 = arith.maximumf %dot_general3A_148, %max3A_150 : vector<10000x32xf32>
    %max3A_152 = arith.maximumf %max3A_141, %max3A_151 : vector<10000x32xf32>
    %get3A_153 = arith.constant 14 : index
    %get3A_154 = arith.constant 0 : index
    %get3A_155 = arith.constant 0 : index
    %get3A_156 = vector.load %arg1[%get3A_153, %get3A_154, %get3A_155] : memref<16x32x32xf32, #tpu.memory_space<vmem>>, vector<1x32x32xf32>
    %get3A_157 = vector.shape_cast %get3A_156 : vector<1x32x32xf32> to vector<32x32xf32>
    %dot_general3A_158 = arith.constant dense<0.000000e+00> : vector<10000x32xf32>
    %dot_general3A_159 = tpu.matmul %get3A_1, %get3A_157, %dot_general3A_158 {dimension_numbers = #tpu.dot_dimension_numbers<[1], [0], [0], [1], [0, 0, 1, 1], [], []>, transpose_lhs_hint = false} : vector<10000x32xf32>, vector<32x32xf32>, vector<10000x32xf32> -> vector<10000x32xf32>
    %max3A_160 = arith.constant 0.000000e+00 : f32
    %max3A_161 = vector.broadcast %max3A_160 : f32 to vector<10000x32xf32>
    %max3A_162 = arith.maximumf %dot_general3A_159, %max3A_161 : vector<10000x32xf32>
    %max3A_163 = arith.maximumf %max3A_152, %max3A_162 : vector<10000x32xf32>
    %get3A_164 = arith.constant 15 : index
    %get3A_165 = arith.constant 0 : index
    %get3A_166 = arith.constant 0 : index
    %get3A_167 = vector.load %arg1[%get3A_164, %get3A_165, %get3A_166] : memref<16x32x32xf32, #tpu.memory_space<vmem>>, vector<1x32x32xf32>
    %get3A_168 = vector.shape_cast %get3A_167 : vector<1x32x32xf32> to vector<32x32xf32>
    %dot_general3A_169 = arith.constant dense<0.000000e+00> : vector<10000x32xf32>
    %dot_general3A_170 = tpu.matmul %get3A_1, %get3A_168, %dot_general3A_169 {dimension_numbers = #tpu.dot_dimension_numbers<[1], [0], [0], [1], [0, 0, 1, 1], [], []>, transpose_lhs_hint = false} : vector<10000x32xf32>, vector<32x32xf32>, vector<10000x32xf32> -> vector<10000x32xf32>
    %max3A_171 = arith.constant 0.000000e+00 : f32
    %max3A_172 = vector.broadcast %max3A_171 : f32 to vector<10000x32xf32>
    %max3A_173 = arith.maximumf %dot_general3A_170, %max3A_172 : vector<10000x32xf32>
    %max3A_174 = arith.maximumf %max3A_163, %max3A_173 : vector<10000x32xf32>
    %iota3A = tpu.iota {dimensions = array<i32: 0>} : vector<64x10000xi32>
    %get3A_175 = arith.constant 0 : index
    %get3A_176 = arith.constant 0 : index
    %get3A_177 = vector.load %arg2[%get3A_175, %get3A_176] : memref<1x10000xi32, #tpu.memory_space<vmem>>, vector<1x10000xi32>
    %eq3A = vector.broadcast %get3A_177 : vector<1x10000xi32> to vector<64x10000xi32>
    %eq3A_178 = arith.cmpi eq, %eq3A, %iota3A : vector<64x10000xi32>
    %convert_element_type3A = arith.extui %eq3A_178 : vector<64x10000xi1> to vector<64x10000xi32>
    %convert_element_type3A_179 = arith.sitofp %convert_element_type3A : vector<64x10000xi32> to vector<64x10000xf32>
    %dot_general3A_180 = arith.constant dense<0.000000e+00> : vector<64x32xf32>
    %dot_general3A_181 = tpu.matmul %convert_element_type3A_179, %max3A_174, %dot_general3A_180 {dimension_numbers = #tpu.dot_dimension_numbers<[1], [0], [0], [1], [0, 0, 1, 1], [], []>, precision = #tpu.contract_precision<fp32>, transpose_lhs_hint = false} : vector<64x10000xf32>, vector<10000x32xf32>, vector<64x32xf32> -> vector<64x32xf32>
    %get3A_182 = arith.constant 0 : index
    %get3A_183 = arith.constant 0 : index
    %get3A_184 = vector.load %arg3[%get3A_182, %get3A_183] : memref<32x32xf32, #tpu.memory_space<vmem>>, vector<32x32xf32>
    %dot_general3A_185 = arith.constant dense<0.000000e+00> : vector<64x32xf32>
    %dot_general3A_186 = tpu.matmul %dot_general3A_181, %get3A_184, %dot_general3A_185 {dimension_numbers = #tpu.dot_dimension_numbers<[1], [0], [0], [1], [0, 0, 1, 1], [], []>, transpose_lhs_hint = false} : vector<64x32xf32>, vector<32x32xf32>, vector<64x32xf32> -> vector<64x32xf32>
    %get3A_187 = arith.constant 0 : index
    %get3A_188 = arith.constant 0 : index
    %get3A_189 = vector.load %arg4[%get3A_187, %get3A_188] : memref<1x32xf32, #tpu.memory_space<vmem>>, vector<1x32xf32>
    %add3A = vector.broadcast %get3A_189 : vector<1x32xf32> to vector<64x32xf32>
    %add3A_190 = arith.addf %dot_general3A_186, %add3A : vector<64x32xf32>
    %max3A_191 = arith.constant 0.000000e+00 : f32
    %max3A_192 = vector.broadcast %max3A_191 : f32 to vector<64x32xf32>
    %max3A_193 = arith.maximumf %add3A_190, %max3A_192 : vector<64x32xf32>
    %get3A_194 = arith.constant 0 : index
    %get3A_195 = arith.constant 0 : index
    %get3A_196 = vector.load %arg5[%get3A_194, %get3A_195] : memref<32x16xf32, #tpu.memory_space<vmem>>, vector<32x16xf32>
    %dot_general3A_197 = arith.constant dense<0.000000e+00> : vector<64x16xf32>
    %dot_general3A_198 = tpu.matmul %max3A_193, %get3A_196, %dot_general3A_197 {dimension_numbers = #tpu.dot_dimension_numbers<[1], [0], [0], [1], [0, 0, 1, 1], [], []>, transpose_lhs_hint = false} : vector<64x32xf32>, vector<32x16xf32>, vector<64x16xf32> -> vector<64x16xf32>
    %get3A_199 = arith.constant 0 : index
    %get3A_200 = arith.constant 0 : index
    %get3A_201 = vector.load %arg6[%get3A_199, %get3A_200] : memref<1x16xf32, #tpu.memory_space<vmem>>, vector<1x16xf32>
    %add3A_202 = vector.broadcast %get3A_201 : vector<1x16xf32> to vector<64x16xf32>
    %add3A_203 = arith.addf %dot_general3A_198, %add3A_202 : vector<64x16xf32>
    %max3A_204 = arith.constant 0.000000e+00 : f32
    %max3A_205 = vector.broadcast %max3A_204 : f32 to vector<64x16xf32>
    %max3A_206 = arith.maximumf %add3A_203, %max3A_205 : vector<64x16xf32>
    %get3A_207 = arith.constant 0 : index
    %get3A_208 = arith.constant 0 : index
    %get3A_209 = vector.load %arg7[%get3A_207, %get3A_208] : memref<16x2xf32, #tpu.memory_space<vmem>>, vector<16x2xf32>
    %dot_general3A_210 = arith.constant dense<0.000000e+00> : vector<64x2xf32>
    %dot_general3A_211 = tpu.matmul %max3A_206, %get3A_209, %dot_general3A_210 {dimension_numbers = #tpu.dot_dimension_numbers<[1], [0], [0], [1], [0, 0, 1, 1], [], []>, transpose_lhs_hint = false} : vector<64x16xf32>, vector<16x2xf32>, vector<64x2xf32> -> vector<64x2xf32>
    %get3A_212 = arith.constant 0 : index
    %get3A_213 = arith.constant 0 : index
    %get3A_214 = vector.load %arg8[%get3A_212, %get3A_213] : memref<1x2xf32, #tpu.memory_space<vmem>>, vector<1x2xf32>
    %add3A_215 = vector.broadcast %get3A_214 : vector<1x2xf32> to vector<64x2xf32>
    %add3A_216 = arith.addf %dot_general3A_211, %add3A_215 : vector<64x2xf32>
    %reduce_max3A = arith.constant dense<0xFF800000> : vector<64xf32>
    %reduce_max3A_217 = vector.multi_reduction <maximumf>, %add3A_216, %reduce_max3A [1] : vector<64x2xf32> to vector<64xf32>
    %broadcast_in_dim3A = vector.shape_cast %reduce_max3A_217 : vector<64xf32> to vector<64x1xf32>
    %sub3A = vector.broadcast %broadcast_in_dim3A : vector<64x1xf32> to vector<64x2xf32>
    %sub3A_218 = arith.subf %add3A_216, %sub3A : vector<64x2xf32>
    %exp3A = math.exp %sub3A_218 : vector<64x2xf32>
    %reduce_sum3A = arith.constant dense<0.000000e+00> : vector<64xf32>
    %reduce_sum3A_219 = vector.multi_reduction <add>, %exp3A, %reduce_sum3A [1] : vector<64x2xf32> to vector<64xf32>
    %broadcast_in_dim3A_220 = vector.shape_cast %reduce_sum3A_219 : vector<64xf32> to vector<64x1xf32>
    %log3A = math.log %broadcast_in_dim3A_220 : vector<64x1xf32>
    %sub3A_221 = vector.broadcast %log3A : vector<64x1xf32> to vector<64x2xf32>
    %sub3A_222 = arith.subf %sub3A_218, %sub3A_221 : vector<64x2xf32>
    %swap3A = arith.constant 0 : index
    %swap3A_223 = arith.constant 0 : index
    %swap3A_224 = vector.load %arg9[%swap3A, %swap3A_223] : memref<64x2xf32, #tpu.memory_space<vmem>>, vector<64x2xf32>
    tpu.vector_store %arg9[%swap3A, %swap3A_223], %sub3A_222 {strides = array<i32>} : memref<64x2xf32, #tpu.memory_space<vmem>>, vector<64x2xf32>,
    return
  }
}

</mosaic_0001>

<sc_bundles>
// kernel: kernel.12.cloned.1.call-start
scs
__scs_entry_jumppad:
0x0: {  	(pc) =	sbr.rel $0x88, $3  }
0x1: {  	(tag) =	ssettag $0x0;
	lr =	simm.s32 $0x1  }
0x2: {  	[smem:$0x3F8B] =	sst lr;
	_ =	strace $0xD0000000  }
0x3: {  	_ = 	snop  }
0x4: {  	_ = 	snop  }
0x5: {  	_ = 	snop  }
0x6: {  	_ = 	snop  }
0x7: {  	_ = 	snop  }
__scs_overlays_trampoline_lowered:
0x8: {  	[smem:$0x3F9A] =	sst s0  }
0x9: {  	[smem:$0x3F9B] =	sst s1  }
0xa: {  	[smem:$0x3F9C] =	sst s2  }
0xb: {  	[smem:$0x3F9D] =	sst s3  }
0xc: {  	[smem:$0x3F9E] =	sst s4  }
0xd: {  	[smem:$0x3F9F] =	sst s5  }
0xe: {  	[smem:$0x3FA0] =	sst s6  }
0xf: {  	[smem:$0x3FA1] =	sst s7  }
0x10: {  	[smem:$0x3FA2] =	sst s8  }
0x11: {  	[smem:$0x3FA3] =	sst s9;
	s0 =	simm.s32 @!p0 $0x0  }
0x12: {  	s1 =	sld [smem:$0x3F89];
	s0 =	simm.s32 @p0 $0x1  }
0x13: {  	[smem:$0x3FA4] =	sst s0;
	s0 =	simm.s32 @!p1 $0x0  }
0x14: {  	s2 =	sld [smem:$0x3F88];
	s0 =	simm.s32 @p1 $0x1  }
0x15: {  	[smem:$0x3FA5] =	sst s0;
	s0 =	simm.s32 @!p2 $0x0  }
0x16: {  	s3 =	sld [smem:$0x3FDB];
	s0 =	simm.s32 @p2 $0x1  }
0x17: {  	s4 =	simm.s32 $0x1BF5;
	[smem:$0x3FA7] =	sst s0  }
0x18: {  	s0 =	sld [smem:$0x3F8A];
	_ =	swait.ge [sflag:s4], $0x0  }
0x19: {  	s7 =	sld [smem:$0x3F8B]  }
0x1a: {  	s8 =	sadd.s32 $0xFFFFE003, lr  }
0x1b: {  	s9 =	sadd.s32 $0xFFFFFEF7, lr;
	s5 =	simm.s32 $0xFFFFFFFF;
	p2 =	slt.u32 s8, $0xFFFFF086  }
0x1c: {  	p1 =	slt.u32 s9, $0xF7A;
	s5 =	simm.s32 @!p2 $0x0  }
0x1d: {  	s5 =	simm.s32 @p1 $0x1;
	p0 =	seq.s32 s7, s2  }
0x1e: {  	s7 =	smul.u32 @!p0 $0xF7A, s2;
	p2 =	seq.s32 @!p0 s5, $0x0  }
0x1f: {  	s9 =	smul.u32 $0xF7A, s1;
	s8 =	simm.s32 @!p0 $0x1BF5;
	p2 =	por !p2, p0  }
0x20: {  	[sflag:s8] =	ssyncset.s32 @!p0 $0xFFFFF086;
	s6 =	sadd.s32 @!p0 s3, s7;
	s7 =	simm.s32 @!p0 $0x108  }
0x21: {  	s3 =	sadd.s32 s3, s9;
	s6 =	sadd.s32 @!p0 $0x88, s6;
	s7 =	simm.s32 @p2 $0x1082  }
0x22: {  	[simem:s7], [sflag:s8] =	dma.local @!p0 [hbm:s6], $0xF7A  }
0x23: {  	s9 =	sor.u32 $0xD0000000, s2;
	s6 =	simm.s32 $0x108;
	_ =	swait.ge @!p0 [sflag:s8], $0x0  }
0x24: {  	s3 =	sadd.s32 $0x88, s3;
	s6 =	simm.s32 @!p1 $0x1082;
	[sflag:s4] =	ssyncset.s32 $0xFFFFF086  }
0x25: {  	[simem:s6], [sflag:s4] =	dma.local [hbm:s3], $0xF7A  }
0x26: {  	[smem:$0x3F8B] =	sst s1;
	(tag) =	ssettag s2;
	_ =	strace s9  }
0x27: {  	s1 =	sld [smem:$0x3F9B]  }
0x28: {  	s2 =	sld [smem:$0x3F9C]  }
0x29: {  	s4 =	sld [smem:$0x3F9E]  }
0x2a: {  	p0 =	seq.s32 s5, $0x0;
	s5 =	sld [smem:$0x3F9F]  }
0x2b: {  	s6 =	sld [smem:$0x3FA0]  }
0x2c: {  	s7 =	sld [smem:$0x3FA1]  }
0x2d: {  	s3 =	simm.s32 $0x108;
	s8 =	sld [smem:$0x3FA2]  }
0x2e: {  	s3 =	simm.s32 @!p0 $0x1082;
	s9 =	sld [smem:$0x3FA3]  }
0x2f: {  	lr =	sadd.s32 s0, s3;
	s0 =	sld [smem:$0x3F9A]  }
0x30: {  	s3 =	sld [smem:$0x3F9D]  }
0x31: {  	[smem:$0x3FA6] =	sst s10  }
0x32: {  	s10 =	sld [smem:$0x3FA4];
	_ =	sdelay $0x3  }
0x33: {  	p0 =	seq.s32 s10, $0x1;
	s10 =	sld [smem:$0x3FA6];
	_ =	sdelay $0x3  }
0x34: {  	[smem:$0x3FA6] =	sst s10  }
0x35: {  	s10 =	sld [smem:$0x3FA5];
	_ =	sdelay $0x3  }
0x36: {  	p1 =	seq.s32 s10, $0x1;
	s10 =	sld [smem:$0x3FA6];
	_ =	sdelay $0x3  }
0x37: {  	[smem:$0x3FA6] =	sst s10  }
0x38: {  	s10 =	sld [smem:$0x3FA7]  }
0x39: {  	_ = 	snop;
	(pc) =	sbr.ind lr, $3  }
0x3a: {  	_ = 	snop  }
0x3b: {  	_ = 	snop  }
0x3c: {  	p2 =	seq.s32 s10, $0x1;
	s10 =	sld [smem:$0x3FA6]  }
0x3d: {  	_ =	shalt  }
0x3e: {  	_ =	shalt  }
0x3f: {  	_ =	shalt  }
0x40: {  	_ =	shalt  }
0x41: {  	_ =	shalt  }
0x42: {  	_ =	shalt  }
0x43: {  	_ =	shalt  }
0x44: {  	_ =	shalt  }
0x45: {  	_ =	shalt  }
0x46: {  	_ =	shalt  }
0x47: {  	_ =	shalt  }
0x48: {  	_ =	shalt  }
0x49: {  	_ =	shalt  }
0x4a: {  	_ =	shalt  }
0x4b: {  	_ =	shalt  }
0x4c: {  	_ =	shalt  }
0x4d: {  	_ =	shalt  }
0x4e: {  	_ =	shalt  }
0x4f: {  	_ =	shalt  }
0x50: {  	_ =	shalt  }
0x51: {  	_ =	shalt  }
0x52: {  	_ =	shalt  }
0x53: {  	_ =	shalt  }
0x54: {  	_ =	shalt  }
0x55: {  	_ =	shalt  }
0x56: {  	_ =	shalt  }
0x57: {  	_ =	shalt  }
0x58: {  	_ =	shalt  }
0x59: {  	_ =	shalt  }
0x5a: {  	_ =	shalt  }
0x5b: {  	_ =	shalt  }
0x5c: {  	_ =	shalt  }
0x5d: {  	_ =	shalt  }
0x5e: {  	_ =	shalt  }
0x5f: {  	_ =	shalt  }
0x60: {  	_ =	shalt  }
0x61: {  	_ =	shalt  }
0x62: {  	_ =	shalt  }
0x63: {  	_ =	shalt  }
0x64: {  	_ =	shalt  }
0x65: {  	_ =	shalt  }
0x66: {  	_ =	shalt  }
0x67: {  	_ =	shalt  }
0x68: {  	_ =	shalt  }
0x69: {  	_ =	shalt  }
0x6a: {  	_ =	shalt  }
0x6b: {  	_ =	shalt  }
0x6c: {  	_ =	shalt  }
0x6d: {  	_ =	shalt  }
0x6e: {  	_ =	shalt  }
0x6f: {  	_ =	shalt  }
0x70: {  	_ =	shalt  }
0x71: {  	_ =	shalt  }
0x72: {  	_ =	shalt  }
0x73: {  	_ =	shalt  }
0x74: {  	_ =	shalt  }
0x75: {  	_ =	shalt  }
0x76: {  	_ =	shalt  }
0x77: {  	_ =	shalt  }
0x78: {  	_ =	shalt  }
0x79: {  	_ =	shalt  }
0x7a: {  	_ =	shalt  }
0x7b: {  	_ =	shalt  }
0x7c: {  	_ =	shalt  }
0x7d: {  	_ =	shalt  }
0x7e: {  	_ =	shalt  }
0x7f: {  	_ =	shalt  }
0x80: {  	_ =	shalt  }
0x81: {  	_ =	shalt  }
0x82: {  	_ =	shalt  }
0x83: {  	_ =	shalt  }
0x84: {  	_ =	shalt  }
0x85: {  	_ =	shalt  }
0x86: {  	_ =	shalt  }
0x87: {  	_ =	shalt  }
.Lfunc_end0:
.L_simem_size_0:
called_computation.1_lowered:
.L_overlay_start_0:
0x88: {  	s2 =	sld [smem:$0x3FD9]  }
0x89: {  	s3 =	sld [smem:$0x3FFE];
	_ =	sdelay $0x1  }
0x8a: {  	s1 =	srdreg.scid  }
0x8b: {  	s0 =	sand.u32 $0x1, s1  }
0x8c: {  	s16 =	sshll.u32 s0, $0xA;
	s2 =	sadd.s32 s3, s2  }
0x8d: {  	s2 =	sadd.s32 s2, s16  }
0x8e: {  	[smem:$0x3FB2] =	sst s2  }
0x8f: {  	_ = 	snop  }
0x90: {  	(tm) =	ssettm $0x1  }
0x91: {  	s17 =	sld [smem:$0x3FFB];
	_ =	sdelay $0x3  }
0x92: {  	_ =	strace s17  }
0x93: {  	s2 =	sld [smem:$0x3FFC];
	_ =	sdelay $0x3  }
0x94: {  	_ =	strace s2  }
0x95: {  	s2 =	sld [smem:$0x3FFD];
	_ =	sdelay $0x3  }
0x96: {  	_ =	strace s2  }
0x97: {  	_ =	strace $0x8FFFFFFF  }
0x98: {  	s18 =	sld [smem:$0x3FDB];
	_ =	sdelay $0x1  }
0x99: {  	s19 =	simm.s32 $_scs_section_size  }
0x9a: {  	s4 =	simm.s32 $_size__tile_overlayer_lowered;
	s5 =	simm.s32 $_tile_overlayer_lowered  }
0x9b: {  	s22 =	simm.s32 $0x1BFF;
	s21 =	sshll.u32 s5, $0x1;
	s2 =	sadd.s32 s19, s18  }
0x9c: {  	s6 =	simm.s32 $0x0;
	s20 =	sshll.u32 s4, $0x1;
	s4 =	sadd.s32 s21, s2  }
0x9d: {  	[timem:s6], [sflag:s22] =	dma.local [hbm:s4], s20  }
0x9e: {  	_ =	swait.ge [sflag:s22], s20  }
0x9f: {  	s3 =	ssub.s32 $0x0, s20;
	[sflag:s22] =	ssyncset.done $0x0  }
0xa0: {  	[sflag:s22] =	ssyncadd.s32 s3;
	_ =	sdelay $0x1  }
0xa1: {  	s23 =	simm.s32 $0x1B8B  }
0xa2: {  	_ =	swait.ge [sflag:s23], $0x1  }
0xa3: {  	[sflag:s23] =	ssyncset.done $0x0  }
0xa4: {  	s25 =	simm.s32 $0x1B8E;
	s24 =	sld [smem:$0x3FFE];
	[sflag:s23] =	ssyncadd.s32 $0xFFFFFFFF  }
0xa5: {  	s26 =	simm.s32 $execute0_lowered;
	[smem:$0x3FD2] =	sst s25  }
0xa6: {  	s4 =	sshll.u32 s26, $0x1;
	_ =	strace $0x80000049;
	[dreg:$0x1] =	wrdreg $0xFFFFFFFF  }
0xa7: {  	s28 =	simm.s32 $_size_execute0_lowered;
	s2 =	sadd.s32 s2, s4;
	[dreg:$0x0] =	wrdreg $0x0  }
0xa8: {  	s4 =	sshll.u32 s28, $0x1;
	[dreg:$0x2] =	wrdreg s2  }
0xa9: {  	[dreg:$0x3] =	wrdreg s4  }
0xaa: {  	[dreg:$0x4] =	wrdreg $0xC0  }
0xab: {  	_ =	task [dreg:s6], $0x5FFFF  }
0xac: {  	[dreg:$0x1] =	wrdreg $0xFFFFFFFF  }
0xad: {  	[dreg:$0x0] =	wrdreg $0x60  }
0xae: {  	[dreg:$0x2] =	wrdreg s24  }
0xaf: {  	[dreg:$0x3] =	wrdreg $0x12A00  }
0xb0: {  	[dreg:$0x4] =	wrdreg $0x9  }
0xb1: {  	_ =	task.clear_ibuf [dreg:s6], $0x5FFFF;
	_ =	strace $0x90000049  }
0xb2: {  	s29 =	simm.s32 $0x9;
	_ =	strace $0x8000004B  }
0xb3: {  	_ =	swait.ge [sflag:s29], $0x1  }
0xb4: {  	[sflag:s29] =	ssyncadd.s32 $0xFFFFFFFF  }
0xb5: {  	_ =	strace $0x9000004B  }
0xb6: {  	_ =	sfence  }
0xb7: {  	s30 =	sld [smem:$0x0];
	_ =	sdelay $0x2  }
0xb8: {  	s31 =	sshll.u32 s1, $0xD;
	s1 =	sshrl.u32 s1, $0x2  }
0xb9: {  	s3 =	sand.u32 $0x4000, s31;
	s1 =	sadd.s32 s1, s30  }
0xba: {  	s0 =	sor.u32 s3, s0;
	s1 =	sshll.u32 s1, $0x11  }
0xbb: {  	s0 =	sor.u32 s1, s0  }
0xbc: {  	s0 =	sadd.s32 $0x8F2B, s0  }
0xbd: {  	[sflag:s0] =	ssyncadd.remote.s32 $0x1  }
0xbe: {  	_ =	sfence.sel $0xFFFF  }
0xbf: {  	[dreg:$0x0] =	wrdreg $0xFFFFFFFF;
	(pc) =	sbr.abs _section_cstart, $3  }
0xc0: {  	[dreg:$0x1] =	wrdreg $0xFFFFFFFF  }
0xc1: {  	_ =	task.clear_ibuf [dreg:s6], $0x2FFFF;
	_ =	strace $0x9FFFFFFF  }
0xc2: {  	(tm) =	ssettm $0x7FFFFFFF  }
0xc3: {  	_ =	shalt  }
tec
execute0_lowered:
.L_overlay_start_1:
0x0: {  	(tag) =	ssettag $0x1  }
0x1: {  	s5 =	rddreg [dreg:$0x0];
	s0 =	srdreg.scid  }
0x2: {  	s2 =	rddreg [dreg:$0x1];
	s1 =	stileid.u32  }
0x3: {  	s3 =	simm.s32 $0x0;
	s19 =	simm.s32 $0xAA0;
	s20 =	simm.s32 $0x2  }
0x4: {  	s21 =	simm.s32 $0x50;
	s22 =	simm.s32 $0xA0;
	s8 =	smul.u32 $0xA00, s1  }
0x5: {  	s23 =	simm.s32 $0x1;
	s24 =	simm.s32 $0x0;
	s10 =	smul.u32 $0x14000, s1  }
0x6: {  	s6 =	sand.u32 $0x1, s0;
	s0 =	rddreg [dreg:$0x2];
	s18 =	smul.u32 $0x4E2, s1  }
0x7: {  	[smem:$0x7FF] =	sst s3;
	s4 =	sadd.s32 $0x3C00, s5;
	s9 =	smul.u32 $0xA000, s6  }
0x8: {  	s7 =	smul.u32 $0x4E20, s6;
	_ =	strace $0x8000004A;
	s6 =	ssub.s32 $0x2, s6  }
0x9: {  	s30 =	sshrl.u32 s6, $0x1;
	s31 =	sshrl.u32 s10, $0x2;
	s29 =	sadd.s32 s8, s9  }
0xa: {  	s16 =	sadd.s32 s7, s5;
	s17 =	ssub.s32 s6, s30;
	s15 =	sadd.s32 s29, s5  }
0xb: {  	s5 =	sadd.s32 s31, s2;
	s18 =	sadd.s32 s18, s16;
	s16 =	smax.u32 s17, $0x1  }
0xc: {  	s6 =	sadd.s32 $0x800, s5;
	s7 =	sadd.s32 $0x1000, s5;
	s8 =	sadd.s32 $0x1800, s5  }
0xd: {  	s9 =	sadd.s32 $0x2000, s5;
	s10 =	sadd.s32 $0x2800, s5;
	s11 =	sadd.s32 $0x3000, s5  }
0xe: {  	s12 =	sadd.s32 $0x3800, s5;
	s13 =	sadd.s32 $0x4000, s5;
	s14 =	sadd.s32 $0x4800, s5  }
0xf: {  	v0 =	vimm.f32 $0.0e+00;
	s15 =	sadd.s32 $0xDA00, s15;
	s17 =	sadd.s32 $0x2AE00, s18;
	s18 =	sadd.s32 $0x34C00, s18  }
.LBB2_1:
0x10: {  	s25 =	simm.s32 $0x80;
	s26 =	simm.s32 $0x0  }
.LBB2_2:
0x11: {  	p0 =	sne.s32 s25, $0x1F80;
	[tilespmem:s26+$0xAA0] =	vst v0;
	s28 =	smov.u32 s25;
	s25 =	sadd.s32 $0x80, s25  }
.Ltmp0:
0x12: {  	[tilespmem:s26+$0xAB0] =	vst v0;
	(pc) =	sbr.rel @p0 .LBB2_2-.Ltmp0, $2  }
0x13: {  	_ =	sdelay $0x2  }
0x14: {  	s26 =	sshra.s32 s28, $0x2  }
0x15: {  	[tilespmem:s26+$0xAA0] =	vst v0  }
0x16: {  	[tilespmem:s26+$0xAB0] =	vst v0  }
0x17: {  	[spmem:s5] =	stream.linear.scatter [tilespmem:s19], [sflag:$0x2], $0x800, $0x38;
	[tilespmem:$0x62A0] =	vst v63  }
0x18: {  	_ =	swait.ge [sflag:s20], $0x800  }
0x19: {  	[sflag:s20] =	ssyncset.done $0x0  }
0x1a: {  	[sflag:s20] =	ssyncadd.s32 $0xFFFFF800  }
0x1b: {  	[spmem:s6] =	stream.linear.scatter [tilespmem:s19], [sflag:$0x2], $0x800, $0x38;
	[tilespmem:$0x62A0] =	vst v63  }
0x1c: {  	_ =	swait.ge [sflag:s20], $0x800  }
0x1d: {  	[sflag:s20] =	ssyncset.done $0x0  }
0x1e: {  	[sflag:s20] =	ssyncadd.s32 $0xFFFFF800  }
0x1f: {  	[spmem:s7] =	stream.linear.scatter [tilespmem:s19], [sflag:$0x2], $0x800, $0x38;
	[tilespmem:$0x62A0] =	vst v63  }
0x20: {  	_ =	swait.ge [sflag:s20], $0x800  }
0x21: {  	[sflag:s20] =	ssyncset.done $0x0  }
0x22: {  	[sflag:s20] =	ssyncadd.s32 $0xFFFFF800  }
0x23: {  	[spmem:s8] =	stream.linear.scatter [tilespmem:s19], [sflag:$0x2], $0x800, $0x38;
	[tilespmem:$0x62A0] =	vst v63  }
0x24: {  	_ =	swait.ge [sflag:s20], $0x800  }
0x25: {  	[sflag:s20] =	ssyncset.done $0x0  }
0x26: {  	[sflag:s20] =	ssyncadd.s32 $0xFFFFF800  }
0x27: {  	[spmem:s9] =	stream.linear.scatter [tilespmem:s19], [sflag:$0x2], $0x800, $0x38;
	[tilespmem:$0x62A0] =	vst v63  }
0x28: {  	_ =	swait.ge [sflag:s20], $0x800  }
0x29: {  	[sflag:s20] =	ssyncset.done $0x0  }
0x2a: {  	[sflag:s20] =	ssyncadd.s32 $0xFFFFF800  }
0x2b: {  	[spmem:s10] =	stream.linear.scatter [tilespmem:s19], [sflag:$0x2], $0x800, $0x38;
	[tilespmem:$0x62A0] =	vst v63  }
0x2c: {  	_ =	swait.ge [sflag:s20], $0x800  }
0x2d: {  	[sflag:s20] =	ssyncset.done $0x0  }
0x2e: {  	[sflag:s20] =	ssyncadd.s32 $0xFFFFF800  }
0x2f: {  	[spmem:s11] =	stream.linear.scatter [tilespmem:s19], [sflag:$0x2], $0x800, $0x38;
	[tilespmem:$0x62A0] =	vst v63  }
0x30: {  	_ =	swait.ge [sflag:s20], $0x800  }
0x31: {  	[sflag:s20] =	ssyncset.done $0x0  }
0x32: {  	[sflag:s20] =	ssyncadd.s32 $0xFFFFF800  }
0x33: {  	[spmem:s12] =	stream.linear.scatter [tilespmem:s19], [sflag:$0x2], $0x800, $0x38;
	[tilespmem:$0x62A0] =	vst v63  }
0x34: {  	_ =	swait.ge [sflag:s20], $0x800  }
0x35: {  	[sflag:s20] =	ssyncset.done $0x0  }
0x36: {  	[sflag:s20] =	ssyncadd.s32 $0xFFFFF800  }
0x37: {  	[spmem:s13] =	stream.linear.scatter [tilespmem:s19], [sflag:$0x2], $0x800, $0x38;
	[tilespmem:$0x62A0] =	vst v63  }
0x38: {  	_ =	swait.ge [sflag:s20], $0x800  }
0x39: {  	[sflag:s20] =	ssyncset.done $0x0  }
0x3a: {  	[sflag:s20] =	ssyncadd.s32 $0xFFFFF800  }
0x3b: {  	[spmem:s14] =	stream.linear.scatter [tilespmem:s19], [sflag:$0x2], $0x800, $0x38;
	[tilespmem:$0x62A0] =	vst v63  }
0x3c: {  	_ =	swait.ge [sflag:s20], $0x800  }
0x3d: {  	[sflag:s20] =	ssyncset.done $0x0  }
0x3e: {  	[sflag:s20] =	ssyncadd.s32 $0xFFFFF800  }
0x3f: {  	s25 =	sadd.s32 $0x0, s17;
	[bflag:$0x0] =	sbarrier.arrive $0xFFFF  }
0x40: {  	[tilespmem:s3], [sflag:$0x2] =	stream.linear.gather [hbm4b:s25+s3], $0x50, $0x38;
	[tilespmem:$0x62A0] =	vst v63  }
0x41: {  	_ =	swait.ge [sflag:s20], $0x50  }
0x42: {  	[sflag:s20] =	ssyncset.done $0x0  }
0x43: {  	s31 =	sadd.s32 $0x0, s18;
	[sflag:s20] =	ssyncadd.s32 $0xFFFFFFB0  }
0x44: {  	[tilespmem:s21], [sflag:$0x2] =	stream.linear.gather [hbm4b:s31+s3], $0x50, $0x38;
	[tilespmem:$0x62A0] =	vst v63  }
0x45: {  	_ =	swait.ge [sflag:s20], $0x50  }
0x46: {  	[sflag:s20] =	ssyncset.done $0x0  }
0x47: {  	[sflag:s20] =	ssyncadd.s32 $0xFFFFFFB0  }
0x48: {  	[tilespmem:s22], [sflag:$0x1] =	stream.indirect.gather [hbm4b:s4+s21], $0x20, s3, s21, $0xb8;
	[tilespmem:$0x62A0] =	vst v63  }
0x49: {  	_ =	swait.ge [sflag:s23], $0xA00  }
0x4a: {  	[sflag:s23] =	ssyncset.done $0x0  }
0x4b: {  	[sflag:s23] =	ssyncadd.s32 $0xFFFFF600  }
0x4c: {  	[spmem:s2] =	stream.indirect.scatter.add.f32 [tilespmem:s22], [sflag:$0x2], $0x20, s21, s21, $0xb8;
	[tilespmem:$0x62A0] =	vst v63  }
0x4d: {  	_ =	swait.ge [sflag:s20], $0xA00  }
0x4e: {  	s26 =	simm.s32 $0x14;
	s25 =	simm.s32 $0xA;
	[sflag:s20] =	ssyncset.done $0x0  }
.LBB2_4:
0x4f: {  	s28 =	sadd.s32 s25, s17  }
0x50: {  	[sflag:s20] =	ssyncadd.s32 $0xFFFFF600;
	s29 =	smov.u32 s26;
	s30 =	sadd.s32 $0xA, s26  }
0x51: {  	[tilespmem:s3], [sflag:$0x2] =	stream.linear.gather [hbm4b:s28+s3], $0x50, $0x38;
	[tilespmem:$0x62A0] =	vst v63  }
0x52: {  	p0 =	sne.s32 s26, $0x4D8;
	_ =	swait.ge [sflag:s20], $0x50  }
0x53: {  	[sflag:s20] =	ssyncset.done $0x0  }
0x54: {  	s26 =	sadd.s32 s25, s18;
	s25 =	smov.u32 s29;
	[sflag:s20] =	ssyncadd.s32 $0xFFFFFFB0  }
0x55: {  	[tilespmem:s21], [sflag:$0x2] =	stream.linear.gather [hbm4b:s26+s3], $0x50, $0x38;
	[tilespmem:$0x62A0] =	vst v63  }
0x56: {  	_ =	swait.ge [sflag:s20], $0x50  }
0x57: {  	[sflag:s20] =	ssyncset.done $0x0  }
0x58: {  	[sflag:s20] =	ssyncadd.s32 $0xFFFFFFB0  }
0x59: {  	[tilespmem:s22], [sflag:$0x1] =	stream.indirect.gather [hbm4b:s4+s21], $0x20, s3, s21, $0xb8;
	[tilespmem:$0x62A0] =	vst v63  }
0x5a: {  	_ =	swait.ge [sflag:s23], $0xA00  }
.Ltmp1:
0x5b: {  	[sflag:s23] =	ssyncset.done $0x0;
	(pc) =	sbr.rel @p0 .LBB2_4-.Ltmp1, $4  }
0x5c: {  	[sflag:s23] =	ssyncadd.s32 $0xFFFFF600  }
0x5d: {  	[spmem:s2] =	stream.indirect.scatter.add.f32 [tilespmem:s22], [sflag:$0x2], $0x20, s21, s21, $0xb8;
	[tilespmem:$0x62A0] =	vst v63  }
0x5e: {  	_ =	swait.ge [sflag:s20], $0xA00  }
0x5f: {  	s26 =	smov.u32 s30;
	[sflag:s20] =	ssyncset.done $0x0  }
0x60: {  	s26 =	sadd.s32 s25, s17;
	[sflag:s20] =	ssyncadd.s32 $0xFFFFF600  }
0x61: {  	[tilespmem:s3], [sflag:$0x2] =	stream.linear.gather [hbm4b:s26+s3], $0x50, $0x38;
	[tilespmem:$0x62A0] =	vst v63  }
0x62: {  	_ =	swait.ge [sflag:s20], $0x50  }
0x63: {  	[sflag:s20] =	ssyncset.done $0x0  }
0x64: {  	s29 =	sadd.s32 s25, s18;
	[sflag:s20] =	ssyncadd.s32 $0xFFFFFFB0  }
0x65: {  	[tilespmem:s21], [sflag:$0x2] =	stream.linear.gather [hbm4b:s29+s3], $0x50, $0x38;
	[tilespmem:$0x62A0] =	vst v63  }
0x66: {  	_ =	swait.ge [sflag:s20], $0x50  }
0x67: {  	[sflag:s20] =	ssyncset.done $0x0  }
0x68: {  	[sflag:s20] =	ssyncadd.s32 $0xFFFFFFB0  }
0x69: {  	[tilespmem:s22], [sflag:$0x1] =	stream.indirect.gather [hbm4b:s4+s21], $0x20, s3, s21, $0xb8;
	[tilespmem:$0x62A0] =	vst v63  }
0x6a: {  	_ =	swait.ge [sflag:s23], $0xA00  }
0x6b: {  	[sflag:s23] =	ssyncset.done $0x0  }
0x6c: {  	[sflag:s23] =	ssyncadd.s32 $0xFFFFF600  }
0x6d: {  	[spmem:s2] =	stream.indirect.scatter.add.f32 [tilespmem:s22], [sflag:$0x2], $0x20, s21, s21, $0xb8;
	[tilespmem:$0x62A0] =	vst v63  }
0x6e: {  	_ =	swait.ge [sflag:s20], $0xA00  }
0x6f: {  	s30 =	sshll.u32 s1, $0x6;
	s24 =	sadd.s32 $0x1, s24;
	[sflag:s20] =	ssyncset.done $0x0  }
0x70: {  	s31 =	sshrl.u32 s5, $0x3;
	p0 =	sne.s32 s24, s16;
	[sflag:s20] =	ssyncadd.s32 $0xFFFFF600  }
.Ltmp2:
0x71: {  	s25 =	sor.u32 $0x1C02, s30;
	[bflag:$0x0] =	sbarrier.arrive $0xFFFF;
	(pc) =	sbr.rel @p0 .LBB2_1-.Ltmp2, $4  }
0x72: {  	[hbm:s15], [sflag:s25] =	dma.local [spmem:s31], $0xA00  }
0x73: {  	_ =	swait.ge [sflag:s20], $0xA00  }
0x74: {  	[sflag:s20] =	ssyncset.done $0x0  }
0x75: {  	[sflag:s20] =	ssyncadd.s32 $0xFFFFF600  }
0x76: {  	_ =	sfence.sel $0x180000  }
0x77: {  	[bflag:$0x0] =	sbarrier.arrive $0xFFFF  }
0x78: {  	p0 =	sne.s32 s1, $0x0;
	_ =	strace $0x9000004A  }
0x79: {  	s0 =	sadd.s32 @!p0 $0x100000, s0;
	[bflag:$0x2] =	sbarrier.arrive $0xFFFF  }
0x7a: {  	[sflag:s0] =	ssyncadd.tile.s32 @!p0 $0x1;
	_ =	shalt  }
.Lfunc_end2:
_tile_overlayer_lowered:
.L_overlay_start_2:
0x7b: {  	(tag) =	ssettag $0x2  }
0x7c: {  	s0 =	rddreg [dreg:$0x0];
	s2 =	stileid.u32  }
0x7d: {  	s1 =	rddreg [dreg:$0x1];
	p0 =	sne.s32 s2, $0x0  }
0x7e: {  	s3 =	rddreg [dreg:$0x2];
	[bflag:$0x3] =	sbarrier.arrive $0xFFFF;
	s2 =	simm.s32 @!p0 $0x1C02  }
0x7f: {  	[timem:s3], [sflag:s2] =	dma.local @!p0 [hbm:s0], s1  }
0x80: {  	s0 =	simm.s32 @!p0 $0x2  }
0x81: {  	_ =	swait.ge @!p0 [sflag:s0], s1  }
0x82: {  	s1 =	ssub.s32 @!p0 $0x0, s1;
	[sflag:s0] =	ssyncset.done @!p0 $0x0  }
0x83: {  	[sflag:s0] =	ssyncadd.s32 @!p0 s1  }
0x84: {  	[bflag:$0x3] =	sbarrier.arrive $0xFFFF  }
0x85: {  	_ =	shalt  }

// kernel: kernel.15.cloned.1.call-start
scs
__scs_entry_jumppad:
0x0: {  	(pc) =	sbr.rel $0x88, $3  }
0x1: {  	(tag) =	ssettag $0x0;
	lr =	simm.s32 $0x1  }
0x2: {  	[smem:$0x3F8B] =	sst lr;
	_ =	strace $0xD0000000  }
0x3: {  	_ = 	snop  }
0x4: {  	_ = 	snop  }
0x5: {  	_ = 	snop  }
0x6: {  	_ = 	snop  }
0x7: {  	_ = 	snop  }
__scs_overlays_trampoline_lowered:
0x8: {  	[smem:$0x3F9A] =	sst s0  }
0x9: {  	[smem:$0x3F9B] =	sst s1  }
0xa: {  	[smem:$0x3F9C] =	sst s2  }
0xb: {  	[smem:$0x3F9D] =	sst s3  }
0xc: {  	[smem:$0x3F9E] =	sst s4  }
0xd: {  	[smem:$0x3F9F] =	sst s5  }
0xe: {  	[smem:$0x3FA0] =	sst s6  }
0xf: {  	[smem:$0x3FA1] =	sst s7  }
0x10: {  	[smem:$0x3FA2] =	sst s8  }
0x11: {  	[smem:$0x3FA3] =	sst s9;
	s0 =	simm.s32 @!p0 $0x0  }
0x12: {  	s1 =	sld [smem:$0x3F89];
	s0 =	simm.s32 @p0 $0x1  }
0x13: {  	[smem:$0x3FA4] =	sst s0;
	s0 =	simm.s32 @!p1 $0x0  }
0x14: {  	s2 =	sld [smem:$0x3F88];
	s0 =	simm.s32 @p1 $0x1  }
0x15: {  	[smem:$0x3FA5] =	sst s0;
	s0 =	simm.s32 @!p2 $0x0  }
0x16: {  	s3 =	sld [smem:$0x3FDB];
	s0 =	simm.s32 @p2 $0x1  }
0x17: {  	s4 =	simm.s32 $0x1BF5;
	[smem:$0x3FA7] =	sst s0  }
0x18: {  	s0 =	sld [smem:$0x3F8A];
	_ =	swait.ge [sflag:s4], $0x0  }
0x19: {  	s7 =	sld [smem:$0x3F8B]  }
0x1a: {  	s8 =	sadd.s32 $0xFFFFE003, lr  }
0x1b: {  	s9 =	sadd.s32 $0xFFFFFEF7, lr;
	s5 =	simm.s32 $0xFFFFFFFF;
	p2 =	slt.u32 s8, $0xFFFFF086  }
0x1c: {  	p1 =	slt.u32 s9, $0xF7A;
	s5 =	simm.s32 @!p2 $0x0  }
0x1d: {  	s5 =	simm.s32 @p1 $0x1;
	p0 =	seq.s32 s7, s2  }
0x1e: {  	s7 =	smul.u32 @!p0 $0xF7A, s2;
	p2 =	seq.s32 @!p0 s5, $0x0  }
0x1f: {  	s9 =	smul.u32 $0xF7A, s1;
	s8 =	simm.s32 @!p0 $0x1BF5;
	p2 =	por !p2, p0  }
0x20: {  	[sflag:s8] =	ssyncset.s32 @!p0 $0xFFFFF086;
	s6 =	sadd.s32 @!p0 s3, s7;
	s7 =	simm.s32 @!p0 $0x108  }
0x21: {  	s3 =	sadd.s32 s3, s9;
	s6 =	sadd.s32 @!p0 $0x88, s6;
	s7 =	simm.s32 @p2 $0x1082  }
0x22: {  	[simem:s7], [sflag:s8] =	dma.local @!p0 [hbm:s6], $0xF7A  }
0x23: {  	s9 =	sor.u32 $0xD0000000, s2;
	s6 =	simm.s32 $0x108;
	_ =	swait.ge @!p0 [sflag:s8], $0x0  }
0x24: {  	s3 =	sadd.s32 $0x88, s3;
	s6 =	simm.s32 @!p1 $0x1082;
	[sflag:s4] =	ssyncset.s32 $0xFFFFF086  }
0x25: {  	[simem:s6], [sflag:s4] =	dma.local [hbm:s3], $0xF7A  }
0x26: {  	[smem:$0x3F8B] =	sst s1;
	(tag) =	ssettag s2;
	_ =	strace s9  }
0x27: {  	s1 =	sld [smem:$0x3F9B]  }
0x28: {  	s2 =	sld [smem:$0x3F9C]  }
0x29: {  	s4 =	sld [smem:$0x3F9E]  }
0x2a: {  	p0 =	seq.s32 s5, $0x0;
	s5 =	sld [smem:$0x3F9F]  }
0x2b: {  	s6 =	sld [smem:$0x3FA0]  }
0x2c: {  	s7 =	sld [smem:$0x3FA1]  }
0x2d: {  	s3 =	simm.s32 $0x108;
	s8 =	sld [smem:$0x3FA2]  }
0x2e: {  	s3 =	simm.s32 @!p0 $0x1082;
	s9 =	sld [smem:$0x3FA3]  }
0x2f: {  	lr =	sadd.s32 s0, s3;
	s0 =	sld [smem:$0x3F9A]  }
0x30: {  	s3 =	sld [smem:$0x3F9D]  }
0x31: {  	[smem:$0x3FA6] =	sst s10  }
0x32: {  	s10 =	sld [smem:$0x3FA4];
	_ =	sdelay $0x3  }
0x33: {  	p0 =	seq.s32 s10, $0x1;
	s10 =	sld [smem:$0x3FA6];
	_ =	sdelay $0x3  }
0x34: {  	[smem:$0x3FA6] =	sst s10  }
0x35: {  	s10 =	sld [smem:$0x3FA5];
	_ =	sdelay $0x3  }
0x36: {  	p1 =	seq.s32 s10, $0x1;
	s10 =	sld [smem:$0x3FA6];
	_ =	sdelay $0x3  }
0x37: {  	[smem:$0x3FA6] =	sst s10  }
0x38: {  	s10 =	sld [smem:$0x3FA7]  }
0x39: {  	_ = 	snop;
	(pc) =	sbr.ind lr, $3  }
0x3a: {  	_ = 	snop  }
0x3b: {  	_ = 	snop  }
0x3c: {  	p2 =	seq.s32 s10, $0x1;
	s10 =	sld [smem:$0x3FA6]  }
0x3d: {  	_ =	shalt  }
0x3e: {  	_ =	shalt  }
0x3f: {  	_ =	shalt  }
0x40: {  	_ =	shalt  }
0x41: {  	_ =	shalt  }
0x42: {  	_ =	shalt  }
0x43: {  	_ =	shalt  }
0x44: {  	_ =	shalt  }
0x45: {  	_ =	shalt  }
0x46: {  	_ =	shalt  }
0x47: {  	_ =	shalt  }
0x48: {  	_ =	shalt  }
0x49: {  	_ =	shalt  }
0x4a: {  	_ =	shalt  }
0x4b: {  	_ =	shalt  }
0x4c: {  	_ =	shalt  }
0x4d: {  	_ =	shalt  }
0x4e: {  	_ =	shalt  }
0x4f: {  	_ =	shalt  }
0x50: {  	_ =	shalt  }
0x51: {  	_ =	shalt  }
0x52: {  	_ =	shalt  }
0x53: {  	_ =	shalt  }
0x54: {  	_ =	shalt  }
0x55: {  	_ =	shalt  }
0x56: {  	_ =	shalt  }
0x57: {  	_ =	shalt  }
0x58: {  	_ =	shalt  }
0x59: {  	_ =	shalt  }
0x5a: {  	_ =	shalt  }
0x5b: {  	_ =	shalt  }
0x5c: {  	_ =	shalt  }
0x5d: {  	_ =	shalt  }
0x5e: {  	_ =	shalt  }
0x5f: {  	_ =	shalt  }
0x60: {  	_ =	shalt  }
0x61: {  	_ =	shalt  }
0x62: {  	_ =	shalt  }
0x63: {  	_ =	shalt  }
0x64: {  	_ =	shalt  }
0x65: {  	_ =	shalt  }
0x66: {  	_ =	shalt  }
0x67: {  	_ =	shalt  }
0x68: {  	_ =	shalt  }
0x69: {  	_ =	shalt  }
0x6a: {  	_ =	shalt  }
0x6b: {  	_ =	shalt  }
0x6c: {  	_ =	shalt  }
0x6d: {  	_ =	shalt  }
0x6e: {  	_ =	shalt  }
0x6f: {  	_ =	shalt  }
0x70: {  	_ =	shalt  }
0x71: {  	_ =	shalt  }
0x72: {  	_ =	shalt  }
0x73: {  	_ =	shalt  }
0x74: {  	_ =	shalt  }
0x75: {  	_ =	shalt  }
0x76: {  	_ =	shalt  }
0x77: {  	_ =	shalt  }
0x78: {  	_ =	shalt  }
0x79: {  	_ =	shalt  }
0x7a: {  	_ =	shalt  }
0x7b: {  	_ =	shalt  }
0x7c: {  	_ =	shalt  }
0x7d: {  	_ =	shalt  }
0x7e: {  	_ =	shalt  }
0x7f: {  	_ =	shalt  }
0x80: {  	_ =	shalt  }
0x81: {  	_ =	shalt  }
0x82: {  	_ =	shalt  }
0x83: {  	_ =	shalt  }
0x84: {  	_ =	shalt  }
0x85: {  	_ =	shalt  }
0x86: {  	_ =	shalt  }
0x87: {  	_ =	shalt  }
.Lfunc_end0:
.L_simem_size_0:
called_computation.2_lowered:
.L_overlay_start_0:
0x88: {  	s2 =	sld [smem:$0x3FD9]  }
0x89: {  	s3 =	sld [smem:$0x3FFE];
	_ =	sdelay $0x1  }
0x8a: {  	s1 =	srdreg.scid  }
0x8b: {  	s0 =	sand.u32 $0x1, s1  }
0x8c: {  	s16 =	sshll.u32 s0, $0xA;
	s2 =	sadd.s32 s3, s2  }
0x8d: {  	s2 =	sadd.s32 s2, s16  }
0x8e: {  	[smem:$0x3FB2] =	sst s2  }
0x8f: {  	_ = 	snop  }
0x90: {  	(tm) =	ssettm $0x1  }
0x91: {  	s17 =	sld [smem:$0x3FFB];
	_ =	sdelay $0x3  }
0x92: {  	_ =	strace s17  }
0x93: {  	s2 =	sld [smem:$0x3FFC];
	_ =	sdelay $0x3  }
0x94: {  	_ =	strace s2  }
0x95: {  	s2 =	sld [smem:$0x3FFD];
	_ =	sdelay $0x3  }
0x96: {  	_ =	strace s2  }
0x97: {  	_ =	strace $0x8FFFFFFF  }
0x98: {  	s18 =	sld [smem:$0x3FDB];
	_ =	sdelay $0x1  }
0x99: {  	s19 =	simm.s32 $_scs_section_size  }
0x9a: {  	s4 =	simm.s32 $_size__tile_overlayer_lowered;
	s5 =	simm.s32 $_tile_overlayer_lowered  }
0x9b: {  	s22 =	simm.s32 $0x1BFF;
	s21 =	sshll.u32 s5, $0x1;
	s2 =	sadd.s32 s19, s18  }
0x9c: {  	s6 =	simm.s32 $0x0;
	s20 =	sshll.u32 s4, $0x1;
	s4 =	sadd.s32 s21, s2  }
0x9d: {  	[timem:s6], [sflag:s22] =	dma.local [hbm:s4], s20  }
0x9e: {  	_ =	swait.ge [sflag:s22], s20  }
0x9f: {  	s3 =	ssub.s32 $0x0, s20;
	[sflag:s22] =	ssyncset.done $0x0  }
0xa0: {  	[sflag:s22] =	ssyncadd.s32 s3;
	_ =	sdelay $0x1  }
0xa1: {  	s23 =	simm.s32 $0x1B8B  }
0xa2: {  	_ =	swait.ge [sflag:s23], $0x1  }
0xa3: {  	[sflag:s23] =	ssyncset.done $0x0  }
0xa4: {  	s25 =	simm.s32 $0x1B8E;
	s24 =	sld [smem:$0x3FFE];
	[sflag:s23] =	ssyncadd.s32 $0xFFFFFFFF  }
0xa5: {  	s26 =	simm.s32 $execute0_lowered;
	[smem:$0x3FD2] =	sst s25  }
0xa6: {  	s4 =	sshll.u32 s26, $0x1;
	_ =	strace $0x8000004C;
	[dreg:$0x1] =	wrdreg $0xFFFFFFFF  }
0xa7: {  	s28 =	simm.s32 $_size_execute0_lowered;
	s2 =	sadd.s32 s2, s4;
	[dreg:$0x0] =	wrdreg $0x0  }
0xa8: {  	s4 =	sshll.u32 s28, $0x1;
	[dreg:$0x2] =	wrdreg s2  }
0xa9: {  	[dreg:$0x3] =	wrdreg s4  }
0xaa: {  	[dreg:$0x4] =	wrdreg $0xC0  }
0xab: {  	_ =	task [dreg:s6], $0x5FFFF  }
0xac: {  	[dreg:$0x1] =	wrdreg $0xFFFFFFFF  }
0xad: {  	[dreg:$0x0] =	wrdreg $0x60  }
0xae: {  	[dreg:$0x2] =	wrdreg s24  }
0xaf: {  	[dreg:$0x3] =	wrdreg $0x12A00  }
0xb0: {  	[dreg:$0x4] =	wrdreg $0x9  }
0xb1: {  	_ =	task.clear_ibuf [dreg:s6], $0x5FFFF;
	_ =	strace $0x9000004C  }
0xb2: {  	s29 =	simm.s32 $0x9;
	_ =	strace $0x8000004E  }
0xb3: {  	_ =	swait.ge [sflag:s29], $0x1  }
0xb4: {  	[sflag:s29] =	ssyncadd.s32 $0xFFFFFFFF  }
0xb5: {  	_ =	strace $0x9000004E  }
0xb6: {  	_ =	sfence  }
0xb7: {  	s30 =	sld [smem:$0x0];
	_ =	sdelay $0x2  }
0xb8: {  	s31 =	sshll.u32 s1, $0xD;
	s1 =	sshrl.u32 s1, $0x2  }
0xb9: {  	s3 =	sand.u32 $0x4000, s31;
	s1 =	sadd.s32 s1, s30  }
0xba: {  	s0 =	sor.u32 s3, s0;
	s1 =	sshll.u32 s1, $0x11  }
0xbb: {  	s0 =	sor.u32 s1, s0  }
0xbc: {  	s0 =	sadd.s32 $0x8F2B, s0  }
0xbd: {  	[sflag:s0] =	ssyncadd.remote.s32 $0x1  }
0xbe: {  	_ =	sfence.sel $0xFFFF  }
0xbf: {  	[dreg:$0x0] =	wrdreg $0xFFFFFFFF;
	(pc) =	sbr.abs _section_cstart, $3  }
0xc0: {  	[dreg:$0x1] =	wrdreg $0xFFFFFFFF  }
0xc1: {  	_ =	task.clear_ibuf [dreg:s6], $0x2FFFF;
	_ =	strace $0x9FFFFFFF  }
0xc2: {  	(tm) =	ssettm $0x7FFFFFFF  }
0xc3: {  	_ =	shalt  }
tec
execute0_lowered:
.L_overlay_start_1:
0x0: {  	(tag) =	ssettag $0x1  }
0x1: {  	s5 =	rddreg [dreg:$0x0];
	s0 =	srdreg.scid  }
0x2: {  	s2 =	rddreg [dreg:$0x1];
	s1 =	stileid.u32  }
0x3: {  	s3 =	simm.s32 $0x0;
	s19 =	simm.s32 $0xAA0;
	s20 =	simm.s32 $0x2  }
0x4: {  	s21 =	simm.s32 $0x50;
	s22 =	simm.s32 $0xA0;
	s8 =	smul.u32 $0xA00, s1  }
0x5: {  	s23 =	simm.s32 $0x1;
	s24 =	simm.s32 $0x0;
	s10 =	smul.u32 $0x14000, s1  }
0x6: {  	s6 =	sand.u32 $0x1, s0;
	s0 =	rddreg [dreg:$0x2];
	s18 =	smul.u32 $0x4E2, s1  }
0x7: {  	[smem:$0x7FF] =	sst s3;
	s4 =	sadd.s32 $0x3C00, s5;
	s9 =	smul.u32 $0xA000, s6  }
0x8: {  	s7 =	smul.u32 $0x4E20, s6;
	_ =	strace $0x8000004D;
	s6 =	ssub.s32 $0x2, s6  }
0x9: {  	s30 =	sshrl.u32 s6, $0x1;
	s31 =	sshrl.u32 s10, $0x2;
	s29 =	sadd.s32 s8, s9  }
0xa: {  	s16 =	sadd.s32 s7, s5;
	s17 =	ssub.s32 s6, s30;
	s15 =	sadd.s32 s29, s5  }
0xb: {  	s5 =	sadd.s32 s31, s2;
	s18 =	sadd.s32 s18, s16;
	s16 =	smax.u32 s17, $0x1  }
0xc: {  	s6 =	sadd.s32 $0x800, s5;
	s7 =	sadd.s32 $0x1000, s5;
	s8 =	sadd.s32 $0x1800, s5  }
0xd: {  	s9 =	sadd.s32 $0x2000, s5;
	s10 =	sadd.s32 $0x2800, s5;
	s11 =	sadd.s32 $0x3000, s5  }
0xe: {  	s12 =	sadd.s32 $0x3800, s5;
	s13 =	sadd.s32 $0x4000, s5;
	s14 =	sadd.s32 $0x4800, s5  }
0xf: {  	v0 =	vimm.f32 $0.0e+00;
	s15 =	sadd.s32 $0xDA00, s15;
	s17 =	sadd.s32 $0x2AE00, s18;
	s18 =	sadd.s32 $0x34C00, s18  }
.LBB2_1:
0x10: {  	s25 =	simm.s32 $0x80;
	s26 =	simm.s32 $0x0  }
.LBB2_2:
0x11: {  	p0 =	sne.s32 s25, $0x1F80;
	[tilespmem:s26+$0xAA0] =	vst v0;
	s28 =	smov.u32 s25;
	s25 =	sadd.s32 $0x80, s25  }
.Ltmp0:
0x12: {  	[tilespmem:s26+$0xAB0] =	vst v0;
	(pc) =	sbr.rel @p0 .LBB2_2-.Ltmp0, $2  }
0x13: {  	_ =	sdelay $0x2  }
0x14: {  	s26 =	sshra.s32 s28, $0x2  }
0x15: {  	[tilespmem:s26+$0xAA0] =	vst v0  }
0x16: {  	[tilespmem:s26+$0xAB0] =	vst v0  }
0x17: {  	[spmem:s5] =	stream.linear.scatter [tilespmem:s19], [sflag:$0x2], $0x800, $0x38;
	[tilespmem:$0x62A0] =	vst v63  }
0x18: {  	_ =	swait.ge [sflag:s20], $0x800  }
0x19: {  	[sflag:s20] =	ssyncset.done $0x0  }
0x1a: {  	[sflag:s20] =	ssyncadd.s32 $0xFFFFF800  }
0x1b: {  	[spmem:s6] =	stream.linear.scatter [tilespmem:s19], [sflag:$0x2], $0x800, $0x38;
	[tilespmem:$0x62A0] =	vst v63  }
0x1c: {  	_ =	swait.ge [sflag:s20], $0x800  }
0x1d: {  	[sflag:s20] =	ssyncset.done $0x0  }
0x1e: {  	[sflag:s20] =	ssyncadd.s32 $0xFFFFF800  }
0x1f: {  	[spmem:s7] =	stream.linear.scatter [tilespmem:s19], [sflag:$0x2], $0x800, $0x38;
	[tilespmem:$0x62A0] =	vst v63  }
0x20: {  	_ =	swait.ge [sflag:s20], $0x800  }
0x21: {  	[sflag:s20] =	ssyncset.done $0x0  }
0x22: {  	[sflag:s20] =	ssyncadd.s32 $0xFFFFF800  }
0x23: {  	[spmem:s8] =	stream.linear.scatter [tilespmem:s19], [sflag:$0x2], $0x800, $0x38;
	[tilespmem:$0x62A0] =	vst v63  }
0x24: {  	_ =	swait.ge [sflag:s20], $0x800  }
0x25: {  	[sflag:s20] =	ssyncset.done $0x0  }
0x26: {  	[sflag:s20] =	ssyncadd.s32 $0xFFFFF800  }
0x27: {  	[spmem:s9] =	stream.linear.scatter [tilespmem:s19], [sflag:$0x2], $0x800, $0x38;
	[tilespmem:$0x62A0] =	vst v63  }
0x28: {  	_ =	swait.ge [sflag:s20], $0x800  }
0x29: {  	[sflag:s20] =	ssyncset.done $0x0  }
0x2a: {  	[sflag:s20] =	ssyncadd.s32 $0xFFFFF800  }
0x2b: {  	[spmem:s10] =	stream.linear.scatter [tilespmem:s19], [sflag:$0x2], $0x800, $0x38;
	[tilespmem:$0x62A0] =	vst v63  }
0x2c: {  	_ =	swait.ge [sflag:s20], $0x800  }
0x2d: {  	[sflag:s20] =	ssyncset.done $0x0  }
0x2e: {  	[sflag:s20] =	ssyncadd.s32 $0xFFFFF800  }
0x2f: {  	[spmem:s11] =	stream.linear.scatter [tilespmem:s19], [sflag:$0x2], $0x800, $0x38;
	[tilespmem:$0x62A0] =	vst v63  }
0x30: {  	_ =	swait.ge [sflag:s20], $0x800  }
0x31: {  	[sflag:s20] =	ssyncset.done $0x0  }
0x32: {  	[sflag:s20] =	ssyncadd.s32 $0xFFFFF800  }
0x33: {  	[spmem:s12] =	stream.linear.scatter [tilespmem:s19], [sflag:$0x2], $0x800, $0x38;
	[tilespmem:$0x62A0] =	vst v63  }
0x34: {  	_ =	swait.ge [sflag:s20], $0x800  }
0x35: {  	[sflag:s20] =	ssyncset.done $0x0  }
0x36: {  	[sflag:s20] =	ssyncadd.s32 $0xFFFFF800  }
0x37: {  	[spmem:s13] =	stream.linear.scatter [tilespmem:s19], [sflag:$0x2], $0x800, $0x38;
	[tilespmem:$0x62A0] =	vst v63  }
0x38: {  	_ =	swait.ge [sflag:s20], $0x800  }
0x39: {  	[sflag:s20] =	ssyncset.done $0x0  }
0x3a: {  	[sflag:s20] =	ssyncadd.s32 $0xFFFFF800  }
0x3b: {  	[spmem:s14] =	stream.linear.scatter [tilespmem:s19], [sflag:$0x2], $0x800, $0x38;
	[tilespmem:$0x62A0] =	vst v63  }
0x3c: {  	_ =	swait.ge [sflag:s20], $0x800  }
0x3d: {  	[sflag:s20] =	ssyncset.done $0x0  }
0x3e: {  	[sflag:s20] =	ssyncadd.s32 $0xFFFFF800  }
0x3f: {  	s25 =	sadd.s32 $0x0, s17;
	[bflag:$0x0] =	sbarrier.arrive $0xFFFF  }
0x40: {  	[tilespmem:s3], [sflag:$0x2] =	stream.linear.gather [hbm4b:s25+s3], $0x50, $0x38;
	[tilespmem:$0x62A0] =	vst v63  }
0x41: {  	_ =	swait.ge [sflag:s20], $0x50  }
0x42: {  	[sflag:s20] =	ssyncset.done $0x0  }
0x43: {  	s31 =	sadd.s32 $0x0, s18;
	[sflag:s20] =	ssyncadd.s32 $0xFFFFFFB0  }
0x44: {  	[tilespmem:s21], [sflag:$0x2] =	stream.linear.gather [hbm4b:s31+s3], $0x50, $0x38;
	[tilespmem:$0x62A0] =	vst v63  }
0x45: {  	_ =	swait.ge [sflag:s20], $0x50  }
0x46: {  	[sflag:s20] =	ssyncset.done $0x0  }
0x47: {  	[sflag:s20] =	ssyncadd.s32 $0xFFFFFFB0  }
0x48: {  	[tilespmem:s22], [sflag:$0x1] =	stream.indirect.gather [hbm4b:s4+s21], $0x20, s3, s21, $0xb8;
	[tilespmem:$0x62A0] =	vst v63  }
0x49: {  	_ =	swait.ge [sflag:s23], $0xA00  }
0x4a: {  	[sflag:s23] =	ssyncset.done $0x0  }
0x4b: {  	[sflag:s23] =	ssyncadd.s32 $0xFFFFF600  }
0x4c: {  	[spmem:s2] =	stream.indirect.scatter.add.f32 [tilespmem:s22], [sflag:$0x2], $0x20, s21, s21, $0xb8;
	[tilespmem:$0x62A0] =	vst v63  }
0x4d: {  	_ =	swait.ge [sflag:s20], $0xA00  }
0x4e: {  	s26 =	simm.s32 $0x14;
	s25 =	simm.s32 $0xA;
	[sflag:s20] =	ssyncset.done $0x0  }
.LBB2_4:
0x4f: {  	s28 =	sadd.s32 s25, s17  }
0x50: {  	[sflag:s20] =	ssyncadd.s32 $0xFFFFF600;
	s29 =	smov.u32 s26;
	s30 =	sadd.s32 $0xA, s26  }
0x51: {  	[tilespmem:s3], [sflag:$0x2] =	stream.linear.gather [hbm4b:s28+s3], $0x50, $0x38;
	[tilespmem:$0x62A0] =	vst v63  }
0x52: {  	p0 =	sne.s32 s26, $0x4D8;
	_ =	swait.ge [sflag:s20], $0x50  }
0x53: {  	[sflag:s20] =	ssyncset.done $0x0  }
0x54: {  	s26 =	sadd.s32 s25, s18;
	s25 =	smov.u32 s29;
	[sflag:s20] =	ssyncadd.s32 $0xFFFFFFB0  }
0x55: {  	[tilespmem:s21], [sflag:$0x2] =	stream.linear.gather [hbm4b:s26+s3], $0x50, $0x38;
	[tilespmem:$0x62A0] =	vst v63  }
0x56: {  	_ =	swait.ge [sflag:s20], $0x50  }
0x57: {  	[sflag:s20] =	ssyncset.done $0x0  }
0x58: {  	[sflag:s20] =	ssyncadd.s32 $0xFFFFFFB0  }
0x59: {  	[tilespmem:s22], [sflag:$0x1] =	stream.indirect.gather [hbm4b:s4+s21], $0x20, s3, s21, $0xb8;
	[tilespmem:$0x62A0] =	vst v63  }
0x5a: {  	_ =	swait.ge [sflag:s23], $0xA00  }
.Ltmp1:
0x5b: {  	[sflag:s23] =	ssyncset.done $0x0;
	(pc) =	sbr.rel @p0 .LBB2_4-.Ltmp1, $4  }
0x5c: {  	[sflag:s23] =	ssyncadd.s32 $0xFFFFF600  }
0x5d: {  	[spmem:s2] =	stream.indirect.scatter.add.f32 [tilespmem:s22], [sflag:$0x2], $0x20, s21, s21, $0xb8;
	[tilespmem:$0x62A0] =	vst v63  }
0x5e: {  	_ =	swait.ge [sflag:s20], $0xA00  }
0x5f: {  	s26 =	smov.u32 s30;
	[sflag:s20] =	ssyncset.done $0x0  }
0x60: {  	s26 =	sadd.s32 s25, s17;
	[sflag:s20] =	ssyncadd.s32 $0xFFFFF600  }
0x61: {  	[tilespmem:s3], [sflag:$0x2] =	stream.linear.gather [hbm4b:s26+s3], $0x50, $0x38;
	[tilespmem:$0x62A0] =	vst v63  }
0x62: {  	_ =	swait.ge [sflag:s20], $0x50  }
0x63: {  	[sflag:s20] =	ssyncset.done $0x0  }
0x64: {  	s29 =	sadd.s32 s25, s18;
	[sflag:s20] =	ssyncadd.s32 $0xFFFFFFB0  }
0x65: {  	[tilespmem:s21], [sflag:$0x2] =	stream.linear.gather [hbm4b:s29+s3], $0x50, $0x38;
	[tilespmem:$0x62A0] =	vst v63  }
0x66: {  	_ =	swait.ge [sflag:s20], $0x50  }
0x67: {  	[sflag:s20] =	ssyncset.done $0x0  }
0x68: {  	[sflag:s20] =	ssyncadd.s32 $0xFFFFFFB0  }
0x69: {  	[tilespmem:s22], [sflag:$0x1] =	stream.indirect.gather [hbm4b:s4+s21], $0x20, s3, s21, $0xb8;
	[tilespmem:$0x62A0] =	vst v63  }
0x6a: {  	_ =	swait.ge [sflag:s23], $0xA00  }
0x6b: {  	[sflag:s23] =	ssyncset.done $0x0  }
0x6c: {  	[sflag:s23] =	ssyncadd.s32 $0xFFFFF600  }
0x6d: {  	[spmem:s2] =	stream.indirect.scatter.add.f32 [tilespmem:s22], [sflag:$0x2], $0x20, s21, s21, $0xb8;
	[tilespmem:$0x62A0] =	vst v63  }
0x6e: {  	_ =	swait.ge [sflag:s20], $0xA00  }
0x6f: {  	s30 =	sshll.u32 s1, $0x6;
	s24 =	sadd.s32 $0x1, s24;
	[sflag:s20] =	ssyncset.done $0x0  }
0x70: {  	s31 =	sshrl.u32 s5, $0x3;
	p0 =	sne.s32 s24, s16;
	[sflag:s20] =	ssyncadd.s32 $0xFFFFF600  }
.Ltmp2:
0x71: {  	s25 =	sor.u32 $0x1C02, s30;
	[bflag:$0x0] =	sbarrier.arrive $0xFFFF;
	(pc) =	sbr.rel @p0 .LBB2_1-.Ltmp2, $4  }
0x72: {  	[hbm:s15], [sflag:s25] =	dma.local [spmem:s31], $0xA00  }
0x73: {  	_ =	swait.ge [sflag:s20], $0xA00  }
0x74: {  	[sflag:s20] =	ssyncset.done $0x0  }
0x75: {  	[sflag:s20] =	ssyncadd.s32 $0xFFFFF600  }
0x76: {  	_ =	sfence.sel $0x180000  }
0x77: {  	[bflag:$0x0] =	sbarrier.arrive $0xFFFF  }
0x78: {  	p0 =	sne.s32 s1, $0x0;
	_ =	strace $0x9000004D  }
0x79: {  	s0 =	sadd.s32 @!p0 $0x100000, s0;
	[bflag:$0x2] =	sbarrier.arrive $0xFFFF  }
0x7a: {  	[sflag:s0] =	ssyncadd.tile.s32 @!p0 $0x1;
	_ =	shalt  }
.Lfunc_end2:
_tile_overlayer_lowered:
.L_overlay_start_2:
0x7b: {  	(tag) =	ssettag $0x2  }
0x7c: {  	s0 =	rddreg [dreg:$0x0];
	s2 =	stileid.u32  }
0x7d: {  	s1 =	rddreg [dreg:$0x1];
	p0 =	sne.s32 s2, $0x0  }
0x7e: {  	s3 =	rddreg [dreg:$0x2];
	[bflag:$0x3] =	sbarrier.arrive $0xFFFF;
	s2 =	simm.s32 @!p0 $0x1C02  }
0x7f: {  	[timem:s3], [sflag:s2] =	dma.local @!p0 [hbm:s0], s1  }
0x80: {  	s0 =	simm.s32 @!p0 $0x2  }
0x81: {  	_ =	swait.ge @!p0 [sflag:s0], s1  }
0x82: {  	s1 =	ssub.s32 @!p0 $0x0, s1;
	[sflag:s0] =	ssyncset.done @!p0 $0x0  }
0x83: {  	[sflag:s0] =	ssyncadd.s32 @!p0 s1  }
0x84: {  	[bflag:$0x3] =	sbarrier.arrive $0xFFFF  }
0x85: {  	_ =	shalt  }

// kernel: kernel.9.cloned.1.call-start
scs
__scs_entry_jumppad:
0x0: {  	(pc) =	sbr.rel $0x88, $3  }
0x1: {  	(tag) =	ssettag $0x0;
	lr =	simm.s32 $0x1  }
0x2: {  	[smem:$0x3F8B] =	sst lr;
	_ =	strace $0xD0000000  }
0x3: {  	_ = 	snop  }
0x4: {  	_ = 	snop  }
0x5: {  	_ = 	snop  }
0x6: {  	_ = 	snop  }
0x7: {  	_ = 	snop  }
__scs_overlays_trampoline_lowered:
0x8: {  	[smem:$0x3F9A] =	sst s0  }
0x9: {  	[smem:$0x3F9B] =	sst s1  }
0xa: {  	[smem:$0x3F9C] =	sst s2  }
0xb: {  	[smem:$0x3F9D] =	sst s3  }
0xc: {  	[smem:$0x3F9E] =	sst s4  }
0xd: {  	[smem:$0x3F9F] =	sst s5  }
0xe: {  	[smem:$0x3FA0] =	sst s6  }
0xf: {  	[smem:$0x3FA1] =	sst s7  }
0x10: {  	[smem:$0x3FA2] =	sst s8  }
0x11: {  	[smem:$0x3FA3] =	sst s9;
	s0 =	simm.s32 @!p0 $0x0  }
0x12: {  	s1 =	sld [smem:$0x3F89];
	s0 =	simm.s32 @p0 $0x1  }
0x13: {  	[smem:$0x3FA4] =	sst s0;
	s0 =	simm.s32 @!p1 $0x0  }
0x14: {  	s2 =	sld [smem:$0x3F88];
	s0 =	simm.s32 @p1 $0x1  }
0x15: {  	[smem:$0x3FA5] =	sst s0;
	s0 =	simm.s32 @!p2 $0x0  }
0x16: {  	s3 =	sld [smem:$0x3FDB];
	s0 =	simm.s32 @p2 $0x1  }
0x17: {  	s4 =	simm.s32 $0x1BF5;
	[smem:$0x3FA7] =	sst s0  }
0x18: {  	s0 =	sld [smem:$0x3F8A];
	_ =	swait.ge [sflag:s4], $0x0  }
0x19: {  	s7 =	sld [smem:$0x3F8B]  }
0x1a: {  	s8 =	sadd.s32 $0xFFFFE003, lr  }
0x1b: {  	s9 =	sadd.s32 $0xFFFFFEF7, lr;
	s5 =	simm.s32 $0xFFFFFFFF;
	p2 =	slt.u32 s8, $0xFFFFF086  }
0x1c: {  	p1 =	slt.u32 s9, $0xF7A;
	s5 =	simm.s32 @!p2 $0x0  }
0x1d: {  	s5 =	simm.s32 @p1 $0x1;
	p0 =	seq.s32 s7, s2  }
0x1e: {  	s7 =	smul.u32 @!p0 $0xF7A, s2;
	p2 =	seq.s32 @!p0 s5, $0x0  }
0x1f: {  	s9 =	smul.u32 $0xF7A, s1;
	s8 =	simm.s32 @!p0 $0x1BF5;
	p2 =	por !p2, p0  }
0x20: {  	[sflag:s8] =	ssyncset.s32 @!p0 $0xFFFFF086;
	s6 =	sadd.s32 @!p0 s3, s7;
	s7 =	simm.s32 @!p0 $0x108  }
0x21: {  	s3 =	sadd.s32 s3, s9;
	s6 =	sadd.s32 @!p0 $0x88, s6;
	s7 =	simm.s32 @p2 $0x1082  }
0x22: {  	[simem:s7], [sflag:s8] =	dma.local @!p0 [hbm:s6], $0xF7A  }
0x23: {  	s9 =	sor.u32 $0xD0000000, s2;
	s6 =	simm.s32 $0x108;
	_ =	swait.ge @!p0 [sflag:s8], $0x0  }
0x24: {  	s3 =	sadd.s32 $0x88, s3;
	s6 =	simm.s32 @!p1 $0x1082;
	[sflag:s4] =	ssyncset.s32 $0xFFFFF086  }
0x25: {  	[simem:s6], [sflag:s4] =	dma.local [hbm:s3], $0xF7A  }
0x26: {  	[smem:$0x3F8B] =	sst s1;
	(tag) =	ssettag s2;
	_ =	strace s9  }
0x27: {  	s1 =	sld [smem:$0x3F9B]  }
0x28: {  	s2 =	sld [smem:$0x3F9C]  }
0x29: {  	s4 =	sld [smem:$0x3F9E]  }
0x2a: {  	p0 =	seq.s32 s5, $0x0;
	s5 =	sld [smem:$0x3F9F]  }
0x2b: {  	s6 =	sld [smem:$0x3FA0]  }
0x2c: {  	s7 =	sld [smem:$0x3FA1]  }
0x2d: {  	s3 =	simm.s32 $0x108;
	s8 =	sld [smem:$0x3FA2]  }
0x2e: {  	s3 =	simm.s32 @!p0 $0x1082;
	s9 =	sld [smem:$0x3FA3]  }
0x2f: {  	lr =	sadd.s32 s0, s3;
	s0 =	sld [smem:$0x3F9A]  }
0x30: {  	s3 =	sld [smem:$0x3F9D]  }
0x31: {  	[smem:$0x3FA6] =	sst s10  }
0x32: {  	s10 =	sld [smem:$0x3FA4];
	_ =	sdelay $0x3  }
0x33: {  	p0 =	seq.s32 s10, $0x1;
	s10 =	sld [smem:$0x3FA6];
	_ =	sdelay $0x3  }
0x34: {  	[smem:$0x3FA6] =	sst s10  }
0x35: {  	s10 =	sld [smem:$0x3FA5];
	_ =	sdelay $0x3  }
0x36: {  	p1 =	seq.s32 s10, $0x1;
	s10 =	sld [smem:$0x3FA6];
	_ =	sdelay $0x3  }
0x37: {  	[smem:$0x3FA6] =	sst s10  }
0x38: {  	s10 =	sld [smem:$0x3FA7]  }
0x39: {  	_ = 	snop;
	(pc) =	sbr.ind lr, $3  }
0x3a: {  	_ = 	snop  }
0x3b: {  	_ = 	snop  }
0x3c: {  	p2 =	seq.s32 s10, $0x1;
	s10 =	sld [smem:$0x3FA6]  }
0x3d: {  	_ =	shalt  }
0x3e: {  	_ =	shalt  }
0x3f: {  	_ =	shalt  }
0x40: {  	_ =	shalt  }
0x41: {  	_ =	shalt  }
0x42: {  	_ =	shalt  }
0x43: {  	_ =	shalt  }
0x44: {  	_ =	shalt  }
0x45: {  	_ =	shalt  }
0x46: {  	_ =	shalt  }
0x47: {  	_ =	shalt  }
0x48: {  	_ =	shalt  }
0x49: {  	_ =	shalt  }
0x4a: {  	_ =	shalt  }
0x4b: {  	_ =	shalt  }
0x4c: {  	_ =	shalt  }
0x4d: {  	_ =	shalt  }
0x4e: {  	_ =	shalt  }
0x4f: {  	_ =	shalt  }
0x50: {  	_ =	shalt  }
0x51: {  	_ =	shalt  }
0x52: {  	_ =	shalt  }
0x53: {  	_ =	shalt  }
0x54: {  	_ =	shalt  }
0x55: {  	_ =	shalt  }
0x56: {  	_ =	shalt  }
0x57: {  	_ =	shalt  }
0x58: {  	_ =	shalt  }
0x59: {  	_ =	shalt  }
0x5a: {  	_ =	shalt  }
0x5b: {  	_ =	shalt  }
0x5c: {  	_ =	shalt  }
0x5d: {  	_ =	shalt  }
0x5e: {  	_ =	shalt  }
0x5f: {  	_ =	shalt  }
0x60: {  	_ =	shalt  }
0x61: {  	_ =	shalt  }
0x62: {  	_ =	shalt  }
0x63: {  	_ =	shalt  }
0x64: {  	_ =	shalt  }
0x65: {  	_ =	shalt  }
0x66: {  	_ =	shalt  }
0x67: {  	_ =	shalt  }
0x68: {  	_ =	shalt  }
0x69: {  	_ =	shalt  }
0x6a: {  	_ =	shalt  }
0x6b: {  	_ =	shalt  }
0x6c: {  	_ =	shalt  }
0x6d: {  	_ =	shalt  }
0x6e: {  	_ =	shalt  }
0x6f: {  	_ =	shalt  }
0x70: {  	_ =	shalt  }
0x71: {  	_ =	shalt  }
0x72: {  	_ =	shalt  }
0x73: {  	_ =	shalt  }
0x74: {  	_ =	shalt  }
0x75: {  	_ =	shalt  }
0x76: {  	_ =	shalt  }
0x77: {  	_ =	shalt  }
0x78: {  	_ =	shalt  }
0x79: {  	_ =	shalt  }
0x7a: {  	_ =	shalt  }
0x7b: {  	_ =	shalt  }
0x7c: {  	_ =	shalt  }
0x7d: {  	_ =	shalt  }
0x7e: {  	_ =	shalt  }
0x7f: {  	_ =	shalt  }
0x80: {  	_ =	shalt  }
0x81: {  	_ =	shalt  }
0x82: {  	_ =	shalt  }
0x83: {  	_ =	shalt  }
0x84: {  	_ =	shalt  }
0x85: {  	_ =	shalt  }
0x86: {  	_ =	shalt  }
0x87: {  	_ =	shalt  }
.Lfunc_end0:
.L_simem_size_0:
called_computation_lowered:
.L_overlay_start_0:
0x88: {  	s2 =	sld [smem:$0x3FD9]  }
0x89: {  	s3 =	sld [smem:$0x3FFE];
	_ =	sdelay $0x1  }
0x8a: {  	s1 =	srdreg.scid  }
0x8b: {  	s0 =	sand.u32 $0x1, s1  }
0x8c: {  	s16 =	sshll.u32 s0, $0xA;
	s2 =	sadd.s32 s3, s2  }
0x8d: {  	s2 =	sadd.s32 s2, s16  }
0x8e: {  	[smem:$0x3FB2] =	sst s2  }
0x8f: {  	_ = 	snop  }
0x90: {  	(tm) =	ssettm $0x1  }
0x91: {  	s17 =	sld [smem:$0x3FFB];
	_ =	sdelay $0x3  }
0x92: {  	_ =	strace s17  }
0x93: {  	s2 =	sld [smem:$0x3FFC];
	_ =	sdelay $0x3  }
0x94: {  	_ =	strace s2  }
0x95: {  	s2 =	sld [smem:$0x3FFD];
	_ =	sdelay $0x3  }
0x96: {  	_ =	strace s2  }
0x97: {  	_ =	strace $0x8FFFFFFF  }
0x98: {  	s18 =	sld [smem:$0x3FDB];
	_ =	sdelay $0x1  }
0x99: {  	s19 =	simm.s32 $_scs_section_size  }
0x9a: {  	s4 =	simm.s32 $_size__tile_overlayer_lowered;
	s5 =	simm.s32 $_tile_overlayer_lowered  }
0x9b: {  	s22 =	simm.s32 $0x1BFF;
	s21 =	sshll.u32 s5, $0x1;
	s2 =	sadd.s32 s19, s18  }
0x9c: {  	s6 =	simm.s32 $0x0;
	s20 =	sshll.u32 s4, $0x1;
	s4 =	sadd.s32 s21, s2  }
0x9d: {  	[timem:s6], [sflag:s22] =	dma.local [hbm:s4], s20  }
0x9e: {  	_ =	swait.ge [sflag:s22], s20  }
0x9f: {  	s3 =	ssub.s32 $0x0, s20;
	[sflag:s22] =	ssyncset.done $0x0  }
0xa0: {  	[sflag:s22] =	ssyncadd.s32 s3;
	_ =	sdelay $0x1  }
0xa1: {  	s23 =	simm.s32 $0x1B8B  }
0xa2: {  	_ =	swait.ge [sflag:s23], $0x1  }
0xa3: {  	[sflag:s23] =	ssyncset.done $0x0  }
0xa4: {  	s25 =	simm.s32 $0x1B8E;
	s24 =	sld [smem:$0x3FFE];
	[sflag:s23] =	ssyncadd.s32 $0xFFFFFFFF  }
0xa5: {  	s26 =	simm.s32 $execute0_lowered;
	[smem:$0x3FD2] =	sst s25  }
0xa6: {  	s4 =	sshll.u32 s26, $0x1;
	_ =	strace $0x80000046;
	[dreg:$0x1] =	wrdreg $0xFFFFFFFF  }
0xa7: {  	s28 =	simm.s32 $_size_execute0_lowered;
	s2 =	sadd.s32 s2, s4;
	[dreg:$0x0] =	wrdreg $0x0  }
0xa8: {  	s4 =	sshll.u32 s28, $0x1;
	[dreg:$0x2] =	wrdreg s2  }
0xa9: {  	[dreg:$0x3] =	wrdreg s4  }
0xaa: {  	[dreg:$0x4] =	wrdreg $0xC0  }
0xab: {  	_ =	task [dreg:s6], $0x5FFFF  }
0xac: {  	[dreg:$0x1] =	wrdreg $0xFFFFFFFF  }
0xad: {  	[dreg:$0x0] =	wrdreg $0x60  }
0xae: {  	[dreg:$0x2] =	wrdreg s24  }
0xaf: {  	[dreg:$0x3] =	wrdreg $0x24A00  }
0xb0: {  	[dreg:$0x4] =	wrdreg $0x9  }
0xb1: {  	_ =	task.clear_ibuf [dreg:s6], $0x5FFFF;
	_ =	strace $0x90000046  }
0xb2: {  	s29 =	simm.s32 $0x9;
	_ =	strace $0x80000048  }
0xb3: {  	_ =	swait.ge [sflag:s29], $0x1  }
0xb4: {  	[sflag:s29] =	ssyncadd.s32 $0xFFFFFFFF  }
0xb5: {  	_ =	strace $0x90000048  }
0xb6: {  	_ =	sfence  }
0xb7: {  	s30 =	sld [smem:$0x0];
	_ =	sdelay $0x2  }
0xb8: {  	s31 =	sshll.u32 s1, $0xD;
	s1 =	sshrl.u32 s1, $0x2  }
0xb9: {  	s3 =	sand.u32 $0x4000, s31;
	s1 =	sadd.s32 s1, s30  }
0xba: {  	s0 =	sor.u32 s3, s0;
	s1 =	sshll.u32 s1, $0x11  }
0xbb: {  	s0 =	sor.u32 s1, s0  }
0xbc: {  	s0 =	sadd.s32 $0x8F2B, s0  }
0xbd: {  	[sflag:s0] =	ssyncadd.remote.s32 $0x1  }
0xbe: {  	_ =	sfence.sel $0xFFFF  }
0xbf: {  	[dreg:$0x0] =	wrdreg $0xFFFFFFFF;
	(pc) =	sbr.abs _section_cstart, $3  }
0xc0: {  	[dreg:$0x1] =	wrdreg $0xFFFFFFFF  }
0xc1: {  	_ =	task.clear_ibuf [dreg:s6], $0x2FFFF;
	_ =	strace $0x9FFFFFFF  }
0xc2: {  	(tm) =	ssettm $0x7FFFFFFF  }
0xc3: {  	_ =	shalt  }
tec
execute0_lowered:
.L_overlay_start_1:
0x0: {  	(tag) =	ssettag $0x1  }
0x1: {  	s5 =	rddreg [dreg:$0x0];
	s0 =	srdreg.scid  }
0x2: {  	s2 =	rddreg [dreg:$0x1];
	s1 =	stileid.u32  }
0x3: {  	s3 =	simm.s32 $0x0;
	s19 =	simm.s32 $0x14A0;
	s20 =	simm.s32 $0x2  }
0x4: {  	s21 =	simm.s32 $0x50;
	s22 =	simm.s32 $0xA0;
	s8 =	smul.u32 $0x1400, s1  }
0x5: {  	s23 =	simm.s32 $0x1;
	s24 =	simm.s32 $0x0;
	s10 =	smul.u32 $0x28000, s1  }
0x6: {  	s6 =	sand.u32 $0x1, s0;
	s0 =	rddreg [dreg:$0x2];
	s18 =	smul.u32 $0x9C4, s1  }
0x7: {  	[smem:$0x7FF] =	sst s3;
	s4 =	sadd.s32 $0x3C00, s5;
	s9 =	smul.u32 $0x14000, s6  }
0x8: {  	s7 =	smul.u32 $0x9C40, s6;
	_ =	strace $0x80000047;
	s6 =	ssub.s32 $0x2, s6  }
0x9: {  	s30 =	sshrl.u32 s6, $0x1;
	s31 =	sshrl.u32 s10, $0x2;
	s29 =	sadd.s32 s8, s9  }
0xa: {  	s16 =	sadd.s32 s7, s5;
	s17 =	ssub.s32 s6, s30;
	s15 =	sadd.s32 s29, s5  }
0xb: {  	s5 =	sadd.s32 s31, s2;
	s18 =	sadd.s32 s18, s16;
	s16 =	smax.u32 s17, $0x1  }
0xc: {  	s6 =	sadd.s32 $0x1000, s5;
	s7 =	sadd.s32 $0x2000, s5;
	s8 =	sadd.s32 $0x3000, s5  }
0xd: {  	s9 =	sadd.s32 $0x4000, s5;
	s10 =	sadd.s32 $0x5000, s5;
	s11 =	sadd.s32 $0x6000, s5  }
0xe: {  	s12 =	sadd.s32 $0x7000, s5;
	s13 =	sadd.s32 $0x8000, s5;
	s14 =	sadd.s32 $0x9000, s5  }
0xf: {  	v0 =	vimm.f32 $0.0e+00;
	s15 =	sadd.s32 $0x65E00, s15;
	s17 =	sadd.s32 $0x3EA00, s18;
	s18 =	sadd.s32 $0x52400, s18  }
.LBB2_1:
0x10: {  	s26 =	simm.s32 $0x100;
	s25 =	simm.s32 $0x0  }
.LBB2_2:
0x11: {  	p0 =	sne.s32 s26, $0x3F00;
	[tilespmem:s25+$0x14D0] =	vst v0;
	s28 =	smov.u32 s26;
	s26 =	sadd.s32 $0x100, s26  }
.Ltmp0:
0x12: {  	[tilespmem:s25+$0x14C0] =	vst v0;
	(pc) =	sbr.rel @p0 .LBB2_2-.Ltmp0, $3  }
0x13: {  	[tilespmem:s25+$0x14A0] =	vst v0  }
0x14: {  	[tilespmem:s25+$0x14B0] =	vst v0;
	_ =	sdelay $0x1  }
0x15: {  	s25 =	sshra.s32 s28, $0x2  }
0x16: {  	[tilespmem:s25+$0x14D0] =	vst v0  }
0x17: {  	[tilespmem:s25+$0x14C0] =	vst v0  }
0x18: {  	[tilespmem:s25+$0x14A0] =	vst v0  }
0x19: {  	[tilespmem:s25+$0x14B0] =	vst v0  }
0x1a: {  	[spmem:s5] =	stream.linear.scatter [tilespmem:s19], [sflag:$0x2], $0x1000, $0x38;
	[tilespmem:$0xC4A0] =	vst v63  }
0x1b: {  	_ =	swait.ge [sflag:s20], $0x1000  }
0x1c: {  	[sflag:s20] =	ssyncset.done $0x0  }
0x1d: {  	[sflag:s20] =	ssyncadd.s32 $0xFFFFF000  }
0x1e: {  	[spmem:s6] =	stream.linear.scatter [tilespmem:s19], [sflag:$0x2], $0x1000, $0x38;
	[tilespmem:$0xC4A0] =	vst v63  }
0x1f: {  	_ =	swait.ge [sflag:s20], $0x1000  }
0x20: {  	[sflag:s20] =	ssyncset.done $0x0  }
0x21: {  	[sflag:s20] =	ssyncadd.s32 $0xFFFFF000  }
0x22: {  	[spmem:s7] =	stream.linear.scatter [tilespmem:s19], [sflag:$0x2], $0x1000, $0x38;
	[tilespmem:$0xC4A0] =	vst v63  }
0x23: {  	_ =	swait.ge [sflag:s20], $0x1000  }
0x24: {  	[sflag:s20] =	ssyncset.done $0x0  }
0x25: {  	[sflag:s20] =	ssyncadd.s32 $0xFFFFF000  }
0x26: {  	[spmem:s8] =	stream.linear.scatter [tilespmem:s19], [sflag:$0x2], $0x1000, $0x38;
	[tilespmem:$0xC4A0] =	vst v63  }
0x27: {  	_ =	swait.ge [sflag:s20], $0x1000  }
0x28: {  	[sflag:s20] =	ssyncset.done $0x0  }
0x29: {  	[sflag:s20] =	ssyncadd.s32 $0xFFFFF000  }
0x2a: {  	[spmem:s9] =	stream.linear.scatter [tilespmem:s19], [sflag:$0x2], $0x1000, $0x38;
	[tilespmem:$0xC4A0] =	vst v63  }
0x2b: {  	_ =	swait.ge [sflag:s20], $0x1000  }
0x2c: {  	[sflag:s20] =	ssyncset.done $0x0  }
0x2d: {  	[sflag:s20] =	ssyncadd.s32 $0xFFFFF000  }
0x2e: {  	[spmem:s10] =	stream.linear.scatter [tilespmem:s19], [sflag:$0x2], $0x1000, $0x38;
	[tilespmem:$0xC4A0] =	vst v63  }
0x2f: {  	_ =	swait.ge [sflag:s20], $0x1000  }
0x30: {  	[sflag:s20] =	ssyncset.done $0x0  }
0x31: {  	[sflag:s20] =	ssyncadd.s32 $0xFFFFF000  }
0x32: {  	[spmem:s11] =	stream.linear.scatter [tilespmem:s19], [sflag:$0x2], $0x1000, $0x38;
	[tilespmem:$0xC4A0] =	vst v63  }
0x33: {  	_ =	swait.ge [sflag:s20], $0x1000  }
0x34: {  	[sflag:s20] =	ssyncset.done $0x0  }
0x35: {  	[sflag:s20] =	ssyncadd.s32 $0xFFFFF000  }
0x36: {  	[spmem:s12] =	stream.linear.scatter [tilespmem:s19], [sflag:$0x2], $0x1000, $0x38;
	[tilespmem:$0xC4A0] =	vst v63  }
0x37: {  	_ =	swait.ge [sflag:s20], $0x1000  }
0x38: {  	[sflag:s20] =	ssyncset.done $0x0  }
0x39: {  	[sflag:s20] =	ssyncadd.s32 $0xFFFFF000  }
0x3a: {  	[spmem:s13] =	stream.linear.scatter [tilespmem:s19], [sflag:$0x2], $0x1000, $0x38;
	[tilespmem:$0xC4A0] =	vst v63  }
0x3b: {  	_ =	swait.ge [sflag:s20], $0x1000  }
0x3c: {  	[sflag:s20] =	ssyncset.done $0x0  }
0x3d: {  	[sflag:s20] =	ssyncadd.s32 $0xFFFFF000  }
0x3e: {  	[spmem:s14] =	stream.linear.scatter [tilespmem:s19], [sflag:$0x2], $0x1000, $0x38;
	[tilespmem:$0xC4A0] =	vst v63  }
0x3f: {  	_ =	swait.ge [sflag:s20], $0x1000  }
0x40: {  	[sflag:s20] =	ssyncset.done $0x0  }
0x41: {  	[sflag:s20] =	ssyncadd.s32 $0xFFFFF000  }
0x42: {  	s30 =	sadd.s32 $0x0, s17;
	[bflag:$0x0] =	sbarrier.arrive $0xFFFF  }
0x43: {  	[tilespmem:s3], [sflag:$0x2] =	stream.linear.gather [hbm4b:s30+s3], $0x50, $0x38;
	[tilespmem:$0xC4A0] =	vst v63  }
0x44: {  	_ =	swait.ge [sflag:s20], $0x50  }
0x45: {  	[sflag:s20] =	ssyncset.done $0x0  }
0x46: {  	s31 =	sadd.s32 $0x0, s18;
	[sflag:s20] =	ssyncadd.s32 $0xFFFFFFB0  }
0x47: {  	[tilespmem:s21], [sflag:$0x2] =	stream.linear.gather [hbm4b:s31+s3], $0x50, $0x38;
	[tilespmem:$0xC4A0] =	vst v63  }
0x48: {  	_ =	swait.ge [sflag:s20], $0x50  }
0x49: {  	[sflag:s20] =	ssyncset.done $0x0  }
0x4a: {  	[sflag:s20] =	ssyncadd.s32 $0xFFFFFFB0  }
0x4b: {  	[tilespmem:s22], [sflag:$0x1] =	stream.indirect.gather [hbm4b:s4+s21], $0x40, s3, s21, $0xb8;
	[tilespmem:$0xC4A0] =	vst v63  }
0x4c: {  	_ =	swait.ge [sflag:s23], $0x1400  }
0x4d: {  	[sflag:s23] =	ssyncset.done $0x0  }
0x4e: {  	[sflag:s23] =	ssyncadd.s32 $0xFFFFEC00  }
0x4f: {  	[spmem:s2] =	stream.indirect.scatter.add.f32 [tilespmem:s22], [sflag:$0x2], $0x40, s21, s21, $0xb8;
	[tilespmem:$0xC4A0] =	vst v63  }
0x50: {  	_ =	swait.ge [sflag:s20], $0x1400  }
0x51: {  	s25 =	simm.s32 $0xA;
	s26 =	simm.s32 $0x14;
	[sflag:s20] =	ssyncset.done $0x0  }
.LBB2_4:
0x52: {  	s28 =	sadd.s32 s25, s17  }
0x53: {  	[sflag:s20] =	ssyncadd.s32 $0xFFFFEC00;
	s29 =	smov.u32 s26;
	s30 =	sadd.s32 $0xA, s26  }
0x54: {  	[tilespmem:s3], [sflag:$0x2] =	stream.linear.gather [hbm4b:s28+s3], $0x50, $0x38;
	[tilespmem:$0xC4A0] =	vst v63  }
0x55: {  	p0 =	sne.s32 s26, $0x9BA;
	_ =	swait.ge [sflag:s20], $0x50  }
0x56: {  	[sflag:s20] =	ssyncset.done $0x0  }
0x57: {  	s26 =	sadd.s32 s25, s18;
	s25 =	smov.u32 s29;
	[sflag:s20] =	ssyncadd.s32 $0xFFFFFFB0  }
0x58: {  	[tilespmem:s21], [sflag:$0x2] =	stream.linear.gather [hbm4b:s26+s3], $0x50, $0x38;
	[tilespmem:$0xC4A0] =	vst v63  }
0x59: {  	_ =	swait.ge [sflag:s20], $0x50  }
0x5a: {  	[sflag:s20] =	ssyncset.done $0x0  }
0x5b: {  	[sflag:s20] =	ssyncadd.s32 $0xFFFFFFB0  }
0x5c: {  	[tilespmem:s22], [sflag:$0x1] =	stream.indirect.gather [hbm4b:s4+s21], $0x40, s3, s21, $0xb8;
	[tilespmem:$0xC4A0] =	vst v63  }
0x5d: {  	_ =	swait.ge [sflag:s23], $0x1400  }
.Ltmp1:
0x5e: {  	[sflag:s23] =	ssyncset.done $0x0;
	(pc) =	sbr.rel @p0 .LBB2_4-.Ltmp1, $4  }
0x5f: {  	[sflag:s23] =	ssyncadd.s32 $0xFFFFEC00  }
0x60: {  	[spmem:s2] =	stream.indirect.scatter.add.f32 [tilespmem:s22], [sflag:$0x2], $0x40, s21, s21, $0xb8;
	[tilespmem:$0xC4A0] =	vst v63  }
0x61: {  	_ =	swait.ge [sflag:s20], $0x1400  }
0x62: {  	s26 =	smov.u32 s30;
	[sflag:s20] =	ssyncset.done $0x0  }
0x63: {  	s26 =	sadd.s32 s25, s17;
	[sflag:s20] =	ssyncadd.s32 $0xFFFFEC00  }
0x64: {  	[tilespmem:s3], [sflag:$0x2] =	stream.linear.gather [hbm4b:s26+s3], $0x50, $0x38;
	[tilespmem:$0xC4A0] =	vst v63  }
0x65: {  	_ =	swait.ge [sflag:s20], $0x50  }
0x66: {  	[sflag:s20] =	ssyncset.done $0x0  }
0x67: {  	s29 =	sadd.s32 s25, s18;
	[sflag:s20] =	ssyncadd.s32 $0xFFFFFFB0  }
0x68: {  	[tilespmem:s21], [sflag:$0x2] =	stream.linear.gather [hbm4b:s29+s3], $0x50, $0x38;
	[tilespmem:$0xC4A0] =	vst v63  }
0x69: {  	_ =	swait.ge [sflag:s20], $0x50  }
0x6a: {  	[sflag:s20] =	ssyncset.done $0x0  }
0x6b: {  	[sflag:s20] =	ssyncadd.s32 $0xFFFFFFB0  }
0x6c: {  	[tilespmem:s22], [sflag:$0x1] =	stream.indirect.gather [hbm4b:s4+s21], $0x40, s3, s21, $0xb8;
	[tilespmem:$0xC4A0] =	vst v63  }
0x6d: {  	_ =	swait.ge [sflag:s23], $0x1400  }
0x6e: {  	[sflag:s23] =	ssyncset.done $0x0  }
0x6f: {  	[sflag:s23] =	ssyncadd.s32 $0xFFFFEC00  }
0x70: {  	[spmem:s2] =	stream.indirect.scatter.add.f32 [tilespmem:s22], [sflag:$0x2], $0x40, s21, s21, $0xb8;
	[tilespmem:$0xC4A0] =	vst v63  }
0x71: {  	_ =	swait.ge [sflag:s20], $0x1400  }
0x72: {  	s30 =	sshll.u32 s1, $0x6;
	s24 =	sadd.s32 $0x1, s24;
	[sflag:s20] =	ssyncset.done $0x0  }
0x73: {  	s31 =	sshrl.u32 s5, $0x3;
	p0 =	sne.s32 s24, s16;
	[sflag:s20] =	ssyncadd.s32 $0xFFFFEC00  }
.Ltmp2:
0x74: {  	s25 =	sor.u32 $0x1C02, s30;
	[bflag:$0x0] =	sbarrier.arrive $0xFFFF;
	(pc) =	sbr.rel @p0 .LBB2_1-.Ltmp2, $4  }
0x75: {  	[hbm:s15], [sflag:s25] =	dma.local [spmem:s31], $0x1400  }
0x76: {  	_ =	swait.ge [sflag:s20], $0x1400  }
0x77: {  	[sflag:s20] =	ssyncset.done $0x0  }
0x78: {  	[sflag:s20] =	ssyncadd.s32 $0xFFFFEC00  }
0x79: {  	_ =	sfence.sel $0x180000  }
0x7a: {  	[bflag:$0x0] =	sbarrier.arrive $0xFFFF  }
0x7b: {  	p0 =	sne.s32 s1, $0x0;
	_ =	strace $0x90000047  }
0x7c: {  	s0 =	sadd.s32 @!p0 $0x100000, s0;
	[bflag:$0x2] =	sbarrier.arrive $0xFFFF  }
0x7d: {  	[sflag:s0] =	ssyncadd.tile.s32 @!p0 $0x1;
	_ =	shalt  }
.Lfunc_end2:
_tile_overlayer_lowered:
.L_overlay_start_2:
0x7e: {  	(tag) =	ssettag $0x2  }
0x7f: {  	s0 =	rddreg [dreg:$0x0];
	s2 =	stileid.u32  }
0x80: {  	s1 =	rddreg [dreg:$0x1];
	p0 =	sne.s32 s2, $0x0  }
0x81: {  	s3 =	rddreg [dreg:$0x2];
	[bflag:$0x3] =	sbarrier.arrive $0xFFFF;
	s2 =	simm.s32 @!p0 $0x1C02  }
0x82: {  	[timem:s3], [sflag:s2] =	dma.local @!p0 [hbm:s0], s1  }
0x83: {  	s0 =	simm.s32 @!p0 $0x2  }
0x84: {  	_ =	swait.ge @!p0 [sflag:s0], s1  }
0x85: {  	s1 =	ssub.s32 @!p0 $0x0, s1;
	[sflag:s0] =	ssyncset.done @!p0 $0x0  }
0x86: {  	[sflag:s0] =	ssyncadd.s32 @!p0 s1  }
0x87: {  	[bflag:$0x3] =	sbarrier.arrive $0xFFFF  }
0x88: {  	_ =	shalt  }

</sc_bundles>
